<compile_context>
chip_gen: v7x
topology: tpu7x:2x2x1
jax: 0.10.2.dev20260603
libtpu: 0.0.44.dev20260713+nightly
codegen_flags: <defaults>
</compile_context>

<pallas_src>
import functools

import jax
import jax.numpy as jnp
from jax import lax
from jax.experimental import pallas as pl
from jax.experimental.pallas import tpu as pltpu
from jax.experimental.pallas import tpu_sc as plsc

N = 10000
E = 160000
D_IN = 256
D_H = 64
D_OUT = 512
D_CLS = 40

NC = 2
NS = 16
NW = NC * NS
C = 125
EPW = E // NW
NCHUNK = EPW // C
NPAD = 10240
RPT = NPAD // NS
DEGW = 8
HW = 128

_MESH = plsc.VectorSubcoreMesh(
    core_axis_name="c", subcore_axis_name="s", num_cores=NC, num_subcores=NS)


def _wid():
    return lax.axis_index("s") * NC + lax.axis_index("c")


NBUF = 2
NGRP = NCHUNK // NBUF


def _deg_body(dst2, ones_h, zeros_h, out, ones_v, dstg, acc_sh, sem):
    c = lax.axis_index("c")
    s = lax.axis_index("s")
    w = _wid()

    pltpu.sync_copy(zeros_h.at[pl.ds(s * RPT, RPT)],
                    acc_sh.at[pl.ds(s * RPT, RPT)])
    pltpu.sync_copy(ones_h, ones_v)
    plsc.subcore_barrier()

    def step(j, carry):
        pltpu.sync_copy(dst2.at[w * NCHUNK + j], dstg)
        pltpu.sync_copy(ones_v, acc_sh.at[dstg], add=True)
        return carry

    lax.fori_loop(0, NCHUNK, step, 0)
    plsc.subcore_barrier()
    pltpu.sync_copy(acc_sh.at[pl.ds(s * RPT, RPT)],
                    out.at[c, pl.ds(s * RPT, RPT)])


_deg_call = pl.kernel(
    _deg_body,
    out_type=jax.ShapeDtypeStruct((NC, NPAD, DEGW), jnp.float32),
    mesh=_MESH,
    scratch_types=[
        pltpu.VMEM((C, DEGW), jnp.float32),
        pltpu.VMEM((C,), jnp.int32),
        pltpu.VMEM_SHARED((NPAD, DEGW), jnp.float32),
        pltpu.SemaphoreType.DMA,
    ],
)


def _prop_body(zn, src2, dst2, zeros_h, out, g0, g1, dstg,
               r0, r1, acc_sh, sem0, sem1):
    c = lax.axis_index("c")
    s = lax.axis_index("s")
    w = _wid()
    gbufs = (g0, g1)
    rbufs = (r0, r1)
    sems = (sem0, sem1)

    pltpu.sync_copy(zeros_h.at[pl.ds(s * RPT, RPT)],
                    acc_sh.at[pl.ds(s * RPT, RPT)])
    plsc.subcore_barrier()


    def fire(b, j):
        pltpu.sync_copy(src2.at[w * NCHUNK + j], gbufs[b])
        pltpu.async_copy(zn.at[gbufs[b]], rbufs[b], sems[b])

    def wait(b):
        pltpu.make_async_copy(zn.at[gbufs[b]], rbufs[b], sems[b]).wait()

    def group(g, carry):
        for b in range(NBUF):
            fire(b, g * NBUF + b)
        for b in range(NBUF):
            wait(b)
        for b in range(NBUF):
            j = g * NBUF + b
            pltpu.sync_copy(dst2.at[w * NCHUNK + j], dstg)
            pltpu.sync_copy(rbufs[b], acc_sh.at[dstg], add=True)
        return carry

    lax.fori_loop(0, NGRP, group, 0)
    plsc.subcore_barrier()
    pltpu.sync_copy(acc_sh.at[pl.ds(s * RPT, RPT)],
                    out.at[c, pl.ds(s * RPT, RPT)])


_prop_call = pl.kernel(
    _prop_body,
    out_type=jax.ShapeDtypeStruct((NC, NPAD, HW), jnp.float32),
    mesh=_MESH,
    scratch_types=[
        pltpu.VMEM((C,), jnp.int32),
        pltpu.VMEM((C,), jnp.int32),
        pltpu.VMEM((C,), jnp.int32),
        pltpu.VMEM((C, HW), jnp.float32),
        pltpu.VMEM((C, HW), jnp.float32),
        pltpu.VMEM_SHARED((NPAD, HW), jnp.float32),
        pltpu.SemaphoreType.DMA,
        pltpu.SemaphoreType.DMA,
    ],
)


_R = 1000


def _dinv(degp_ref):
    deg = degp_ref[0] + degp_ref[1] + 1.0
    return lax.rsqrt(deg[:, 0:1])


def _k0_body(x_ref, w1_ref, m_ref):
    m_ref[...] = jnp.dot(x_ref[...], w1_ref[...],
                         preferred_element_type=jnp.float32)


def _k1_body(m_ref, degp_ref, zn1_ref):
    zn1_ref[...] = jnp.concatenate(
        [m_ref[...] * _dinv(degp_ref), jnp.zeros((_R, HW - D_H), jnp.float32)],
        axis=1)


def _k2_body(accp_ref, zn1_ref, degp_ref, b1_ref, zn2_ref):
    dinv = _dinv(degp_ref)
    agg = (accp_ref[0] + accp_ref[1] + zn1_ref[...])[:, :D_H]
    t = dinv * agg + b1_ref[...]
    h1 = jnp.where(t >= 0.0, t, 0.01 * t)
    zn2_ref[...] = jnp.concatenate(
        [dinv * h1, jnp.zeros((_R, HW - D_H), jnp.float32)], axis=1)


def _k3_body(accp_ref, zn2_ref, degp_ref, w2_ref, b2_ref, wc_ref, bc_ref,
             h2_ref, pred_ref):
    dinv = _dinv(degp_ref)
    out2 = dinv * (accp_ref[0] + accp_ref[1] + zn2_ref[...])[:, :D_H]
    t = jnp.dot(out2, w2_ref[...], preferred_element_type=jnp.float32) \
        + b2_ref[...]
    h2 = jnp.where(t >= 0.0, t, 0.01 * t)
    h2_ref[...] = h2
    logits = lax.dot_general(
        h2, wc_ref[...], (((1,), (1,)), ((), ())),
        preferred_element_type=jnp.float32) + bc_ref[...]
    mx = jnp.max(logits, axis=1, keepdims=True)
    e = jnp.exp(logits - mx)
    pred_ref[...] = e / jnp.sum(e, axis=1, keepdims=True)


def _row_blk(minor):
    return pl.BlockSpec((_R, minor), lambda i: (i, 0))


def _pair_blk(minor):
    return pl.BlockSpec((2, _R, minor), lambda i: (0, i, 0))


def _full(shape):
    return pl.BlockSpec(shape, lambda i: tuple(0 for _ in shape))


_GRID = N // _R

_k0_call = pl.pallas_call(
    _k0_body,
    grid=(_GRID,),
    in_specs=[_row_blk(D_IN), _full((D_IN, D_H))],
    out_specs=_row_blk(D_H),
    out_shape=jax.ShapeDtypeStruct((N, D_H), jnp.float32),
)

_k1_call = pl.pallas_call(
    _k1_body,
    grid=(_GRID,),
    in_specs=[_row_blk(D_H), _pair_blk(DEGW)],
    out_specs=_row_blk(HW),
    out_shape=jax.ShapeDtypeStruct((N, HW), jnp.float32),
)

_k2_call = pl.pallas_call(
    _k2_body,
    grid=(_GRID,),
    in_specs=[_pair_blk(HW), _row_blk(HW), _pair_blk(DEGW),
              _full((1, D_H))],
    out_specs=_row_blk(HW),
    out_shape=jax.ShapeDtypeStruct((N, HW), jnp.float32),
)

_k3_call = pl.pallas_call(
    _k3_body,
    grid=(_GRID,),
    in_specs=[_pair_blk(HW), _row_blk(HW), _pair_blk(DEGW),
              _full((D_H, D_OUT)), _full((1, D_OUT)),
              _full((D_CLS, D_OUT)), _full((1, D_CLS))],
    out_specs=[_row_blk(D_OUT), _row_blk(D_CLS)],
    out_shape=[jax.ShapeDtypeStruct((N, D_OUT), jnp.float32),
               jax.ShapeDtypeStruct((N, D_CLS), jnp.float32)],
)


def kernel(x, edge_index, W1, b1, W2, b2, Wc, bc):
    src2 = edge_index[0].reshape(NW * NCHUNK, C)
    dst2 = edge_index[1].reshape(NW * NCHUNK, C)
    ones_h = jnp.ones((C, DEGW), jnp.float32)
    zeros_d = jnp.zeros((NPAD, DEGW), jnp.float32)
    zeros_h = jnp.zeros((NPAD, HW), jnp.float32)

    m1 = _k0_call(x, W1)
    degp = _deg_call(dst2, ones_h, zeros_d)
    zn1 = _k1_call(m1, degp)
    acc1 = _prop_call(zn1, src2, dst2, zeros_h)
    zn2 = _k2_call(acc1, zn1, degp, b1.reshape(1, D_H))
    acc2 = _prop_call(zn2, src2, dst2, zeros_h)
    h2, pred = _k3_call(acc2, zn2, degp, W2, b2.reshape(1, D_OUT),
                        Wc, bc.reshape(1, D_CLS))
    return (h2, pred)

# --- scband reference (transcript-rebuilt; emitter-appended) ---
"""Pipeline reference for scband-graph-net-86577950753136 (READ-ONLY COPY).

The authoritative reference and input builder live on the scoring server;
editing this copy changes nothing except your own understanding.
"""

import jax, jax.numpy as jnp
import numpy as np

N_NODES = 10000
N_EDGES = 160000
D_FEAT = 256
HIDDEN = 64
OUT_CH = 512
N_CLASSES = 40


def setup_inputs(seed: int = 0) -> dict:
    key = jax.random.key(seed)
    ks = jax.random.split(key, 6)
    x = jax.random.normal(ks[0], (N_NODES, D_FEAT), dtype=jnp.float32)
    edge_index = jax.random.randint(ks[1], (2, N_EDGES), 0, N_NODES, dtype=jnp.int32)
    W1 = jax.random.normal(ks[2], (D_FEAT, HIDDEN), dtype=jnp.float32) * (1.0 / np.sqrt(D_FEAT))
    b1 = jnp.zeros((HIDDEN,), dtype=jnp.float32)
    W2 = jax.random.normal(ks[3], (HIDDEN, OUT_CH), dtype=jnp.float32) * (1.0 / np.sqrt(HIDDEN))
    b2 = jnp.zeros((OUT_CH,), dtype=jnp.float32)
    Wc = jax.random.normal(ks[4], (N_CLASSES, OUT_CH), dtype=jnp.float32) * (1.0 / np.sqrt(OUT_CH))
    bc = jnp.zeros((N_CLASSES,), dtype=jnp.float32)
    return {"x": x, "edge_index": edge_index, "W1": W1, "b1": b1, "W2": W2, "b2": b2, "Wc": Wc, "bc": bc}


def _gcn_conv(x, src, dst, W, b, n):
    # PyG GCNConv: add self-loops, symmetric normalization, then propagate
    loop = jnp.arange(n, dtype=src.dtype)
    s = jnp.concatenate([src, loop])
    d = jnp.concatenate([dst, loop])
    deg = jnp.zeros((n,), dtype=x.dtype).at[d].add(1.0)
    dinv = jnp.where(deg > 0, 1.0 / jnp.sqrt(deg), 0.0)
    norm = dinv[s] * dinv[d]
    h = x @ W
    msg = h[s] * norm[:, None]
    out = jnp.zeros((n, W.shape[1]), dtype=x.dtype).at[d].add(msg)
    return out + b


def reference(x, edge_index, W1, b1, W2, b2, Wc, bc):
    n = x.shape[0]
    src = edge_index[0]
    dst = edge_index[1]
    h = _gcn_conv(x, src, dst, W1, b1, n)
    h = jax.nn.leaky_relu(h, negative_slope=0.01)
    # dropout p=0.3 is identity in eval mode
    h = _gcn_conv(h, src, dst, W2, b2, n)
    h = jax.nn.leaky_relu(h, negative_slope=0.01)
    output_feat = h
    pred = jax.nn.softmax(output_feat @ Wc.T + bc, axis=1)
    return (output_feat, pred)

if __name__ == "__main__":
    import jax
    _d = setup_inputs()
    print(jax.jit(kernel)(*tuple(_d.values())))

</pallas_src>

<mosaic_0001>
#map = affine_map<(d0, d1) -> (0, 0)>
#map1 = affine_map<(d0, d1) -> (0, 0, 0)>
module attributes {stable_mosaic.version = 14 : i64} {
  func.func @_prop_body(%arg0: i32, %arg1: i32, %arg2: memref<10000x128xf32, #tpu.memory_space<hbm>>, %arg3: memref<1280x125xi32, #tpu.memory_space<hbm>>, %arg4: memref<1280x125xi32, #tpu.memory_space<hbm>>, %arg5: memref<10240x128xf32, #tpu.memory_space<hbm>>, %arg6: memref<2x10240x128xf32, #tpu.memory_space<hbm>>, %arg7: memref<125xi32, #tpu.memory_space<vmem>>, %arg8: memref<125xi32, #tpu.memory_space<vmem>>, %arg9: memref<125xi32, #tpu.memory_space<vmem>>, %arg10: memref<125x128xf32, #tpu.memory_space<vmem>>, %arg11: memref<125x128xf32, #tpu.memory_space<vmem>>, %arg12: memref<10240x128xf32, #tpu.memory_space<vmem_shared>>, %arg13: memref<!tpu.dma_semaphore, #tpu.memory_space<semaphore_mem>>, %arg14: memref<!tpu.dma_semaphore, #tpu.memory_space<semaphore_mem>>) attributes {dimension_semantics = [#tpu.dimension_semantics<core_parallel>, #tpu.dimension_semantics<subcore_parallel>], iteration_bounds = array<i64: 2, 16>, scalar_prefetch = 0 : i64, scratch_operands = 8 : i64, tpu.core_type = #tpu.core_type<sc_vector_subcore>, window_params = [{transform_indices = #map}, {transform_indices = #map}, {transform_indices = #map}, {transform_indices = #map}, {transform_indices = #map1}]} {
    %mul3A = arith.constant 2 : i32
    %mul3A_0 = arith.muli %arg1, %mul3A : i32
    %add3A = arith.addi %mul3A_0, %arg0 : i32
    %mul3A_1 = arith.constant 640 : i32
    %mul3A_2 = arith.muli %arg1, %mul3A_1 : i32
    %mul3A_3 = arith.constant 640 : i32
    %mul3A_4 = arith.muli %arg1, %mul3A_3 : i32
    "tpu.region"() ({
      %run_scoped3A = tpu.sem_alloc : memref<!tpu.dma_semaphore, #tpu.memory_space<semaphore_mem>>
      %dma_start3A = arith.constant 0 : i32
      %dma_start3A_15 = tpu.memref_slice %arg12[%mul3A_4, %dma_start3A] : memref<10240x128xf32, #tpu.memory_space<vmem_shared>> -> memref<640x128xf32, #tpu.memory_space<vmem_shared>>
      %dma_start3A_16 = arith.constant 0 : i32
      %dma_start3A_17 = tpu.memref_slice %arg5[%mul3A_2, %dma_start3A_16] : memref<10240x128xf32, #tpu.memory_space<hbm>> -> memref<640x128xf32, #tpu.memory_space<hbm>>
      tpu.enqueue_dma source(%dma_start3A_17 : memref<640x128xf32, #tpu.memory_space<hbm>>) target(%dma_start3A_15 : memref<640x128xf32, #tpu.memory_space<vmem_shared>>) target_semaphore(%run_scoped3A : memref<!tpu.dma_semaphore, #tpu.memory_space<semaphore_mem>>)
      %dma_wait3A = arith.constant 0 : i32
      %dma_wait3A_18 = tpu.memref_slice %arg12[%mul3A_4, %dma_wait3A] : memref<10240x128xf32, #tpu.memory_space<vmem_shared>> -> memref<640x128xf32, #tpu.memory_space<vmem_shared>>
      %dma_wait3A_19 = arith.constant 0 : i32
      %dma_wait3A_20 = tpu.memref_slice %arg5[%mul3A_2, %dma_wait3A_19] : memref<10240x128xf32, #tpu.memory_space<hbm>> -> memref<640x128xf32, #tpu.memory_space<hbm>>
      tpu.wait_dma2 semaphore(%run_scoped3A : memref<!tpu.dma_semaphore, #tpu.memory_space<semaphore_mem>>) src(%dma_wait3A_20 : memref<640x128xf32, #tpu.memory_space<hbm>>) dst(%dma_wait3A_18 : memref<640x128xf32, #tpu.memory_space<vmem_shared>>)
      tpu.yield
    }) : () -> ()
    %barrier3A = arith.constant 0 : index
    tpu.barrier barrier_id(%barrier3A)
    %scan3A = arith.constant 0 : i32
    %scan3A_5 = arith.constant 0 : i32
    %scan3A_6 = arith.constant 20 : i32
    %scan3A_7 = arith.addi %scan3A_5, %scan3A_6 : i32
    %scan3A_8 = arith.constant 1 : i32
    scf.for %scan3A_15 = %scan3A_5 to %scan3A_7 step %scan3A_8  : i32 {
      %mul3A_16 = arith.constant 2 : i32
      %mul3A_17 = arith.muli %scan3A_15, %mul3A_16 : i32
      %add3A_18 = arith.constant 0 : i32
      %add3A_19 = arith.addi %mul3A_17, %add3A_18 : i32
      %mul3A_20 = arith.constant 40 : i32
      %mul3A_21 = arith.muli %add3A, %mul3A_20 : i32
      %add3A_22 = arith.addi %mul3A_21, %add3A_19 : i32
      "tpu.region"() ({
        %run_scoped3A = tpu.sem_alloc : memref<!tpu.dma_semaphore, #tpu.memory_space<semaphore_mem>>
        %dma_start3A_54 = arith.constant 0 : i32
        %dma_start3A_55 = tpu.memref_slice %arg3[%add3A_22, %dma_start3A_54] : memref<1280x125xi32, #tpu.memory_space<hbm>> -> memref<1x125xi32, #tpu.memory_space<hbm>>
        %dma_start3A_56 = tpu.memref_squeeze %dma_start3A_55 : memref<1x125xi32, #tpu.memory_space<hbm>> -> memref<125xi32, #tpu.memory_space<hbm>>
        %dma_start3A_57 = arith.constant 0 : i32
        %dma_start3A_58 = tpu.memref_slice %arg3[%add3A_22, %dma_start3A_57] : memref<1280x125xi32, #tpu.memory_space<hbm>> -> memref<1x125xi32, #tpu.memory_space<hbm>>
        %dma_start3A_59 = tpu.memref_squeeze %dma_start3A_58 : memref<1x125xi32, #tpu.memory_space<hbm>> -> memref<125xi32, #tpu.memory_space<hbm>>
        tpu.enqueue_dma source(%dma_start3A_59 : memref<125xi32, #tpu.memory_space<hbm>>) target(%arg7 : memref<125xi32, #tpu.memory_space<vmem>>) target_semaphore(%run_scoped3A : memref<!tpu.dma_semaphore, #tpu.memory_space<semaphore_mem>>)
        %dma_wait3A_60 = arith.constant 0 : i32
        %dma_wait3A_61 = tpu.memref_slice %arg3[%add3A_22, %dma_wait3A_60] : memref<1280x125xi32, #tpu.memory_space<hbm>> -> memref<1x125xi32, #tpu.memory_space<hbm>>
        %dma_wait3A_62 = tpu.memref_squeeze %dma_wait3A_61 : memref<1x125xi32, #tpu.memory_space<hbm>> -> memref<125xi32, #tpu.memory_space<hbm>>
        %dma_wait3A_63 = arith.constant 0 : i32
        %dma_wait3A_64 = tpu.memref_slice %arg3[%add3A_22, %dma_wait3A_63] : memref<1280x125xi32, #tpu.memory_space<hbm>> -> memref<1x125xi32, #tpu.memory_space<hbm>>
        %dma_wait3A_65 = tpu.memref_squeeze %dma_wait3A_64 : memref<1x125xi32, #tpu.memory_space<hbm>> -> memref<125xi32, #tpu.memory_space<hbm>>
        tpu.wait_dma2 semaphore(%run_scoped3A : memref<!tpu.dma_semaphore, #tpu.memory_space<semaphore_mem>>) src(%dma_wait3A_65 : memref<125xi32, #tpu.memory_space<hbm>>) dst(%arg7 : memref<125xi32, #tpu.memory_space<vmem>>)
        tpu.yield
      }) : () -> ()
      %dma_start3A = arith.constant 0 : i32
      %dma_start3A_23 = arith.constant 0 : i32
      %dma_start3A_24 = tpu.memref_slice %arg2[%dma_start3A, %dma_start3A_23] : memref<10000x128xf32, #tpu.memory_space<hbm>> -> memref<10000x128xf32, #tpu.memory_space<hbm>>
      tpu.enqueue_indirect_dma source(%dma_start3A_24 : memref<10000x128xf32, #tpu.memory_space<hbm>>) target(%arg10 : memref<125x128xf32, #tpu.memory_space<vmem>>) offsets(%arg7 : memref<125xi32, #tpu.memory_space<vmem>>) semaphore(%arg13 : memref<!tpu.dma_semaphore, #tpu.memory_space<semaphore_mem>>)
      %mul3A_25 = arith.constant 2 : i32
      %mul3A_26 = arith.muli %scan3A_15, %mul3A_25 : i32
      %add3A_27 = arith.constant 1 : i32
      %add3A_28 = arith.addi %mul3A_26, %add3A_27 : i32
      %mul3A_29 = arith.constant 40 : i32
      %mul3A_30 = arith.muli %add3A, %mul3A_29 : i32
      %add3A_31 = arith.addi %mul3A_30, %add3A_28 : i32
      "tpu.region"() ({
        %run_scoped3A = tpu.sem_alloc : memref<!tpu.dma_semaphore, #tpu.memory_space<semaphore_mem>>
        %dma_start3A_54 = arith.constant 0 : i32
        %dma_start3A_55 = tpu.memref_slice %arg3[%add3A_31, %dma_start3A_54] : memref<1280x125xi32, #tpu.memory_space<hbm>> -> memref<1x125xi32, #tpu.memory_space<hbm>>
        %dma_start3A_56 = tpu.memref_squeeze %dma_start3A_55 : memref<1x125xi32, #tpu.memory_space<hbm>> -> memref<125xi32, #tpu.memory_space<hbm>>
        %dma_start3A_57 = arith.constant 0 : i32
        %dma_start3A_58 = tpu.memref_slice %arg3[%add3A_31, %dma_start3A_57] : memref<1280x125xi32, #tpu.memory_space<hbm>> -> memref<1x125xi32, #tpu.memory_space<hbm>>
        %dma_start3A_59 = tpu.memref_squeeze %dma_start3A_58 : memref<1x125xi32, #tpu.memory_space<hbm>> -> memref<125xi32, #tpu.memory_space<hbm>>
        tpu.enqueue_dma source(%dma_start3A_59 : memref<125xi32, #tpu.memory_space<hbm>>) target(%arg8 : memref<125xi32, #tpu.memory_space<vmem>>) target_semaphore(%run_scoped3A : memref<!tpu.dma_semaphore, #tpu.memory_space<semaphore_mem>>)
        %dma_wait3A_60 = arith.constant 0 : i32
        %dma_wait3A_61 = tpu.memref_slice %arg3[%add3A_31, %dma_wait3A_60] : memref<1280x125xi32, #tpu.memory_space<hbm>> -> memref<1x125xi32, #tpu.memory_space<hbm>>
        %dma_wait3A_62 = tpu.memref_squeeze %dma_wait3A_61 : memref<1x125xi32, #tpu.memory_space<hbm>> -> memref<125xi32, #tpu.memory_space<hbm>>
        %dma_wait3A_63 = arith.constant 0 : i32
        %dma_wait3A_64 = tpu.memref_slice %arg3[%add3A_31, %dma_wait3A_63] : memref<1280x125xi32, #tpu.memory_space<hbm>> -> memref<1x125xi32, #tpu.memory_space<hbm>>
        %dma_wait3A_65 = tpu.memref_squeeze %dma_wait3A_64 : memref<1x125xi32, #tpu.memory_space<hbm>> -> memref<125xi32, #tpu.memory_space<hbm>>
        tpu.wait_dma2 semaphore(%run_scoped3A : memref<!tpu.dma_semaphore, #tpu.memory_space<semaphore_mem>>) src(%dma_wait3A_65 : memref<125xi32, #tpu.memory_space<hbm>>) dst(%arg8 : memref<125xi32, #tpu.memory_space<vmem>>)
        tpu.yield
      }) : () -> ()
      %dma_start3A_32 = arith.constant 0 : i32
      %dma_start3A_33 = arith.constant 0 : i32
      %dma_start3A_34 = tpu.memref_slice %arg2[%dma_start3A_32, %dma_start3A_33] : memref<10000x128xf32, #tpu.memory_space<hbm>> -> memref<10000x128xf32, #tpu.memory_space<hbm>>
      tpu.enqueue_indirect_dma source(%dma_start3A_34 : memref<10000x128xf32, #tpu.memory_space<hbm>>) target(%arg11 : memref<125x128xf32, #tpu.memory_space<vmem>>) offsets(%arg8 : memref<125xi32, #tpu.memory_space<vmem>>) semaphore(%arg14 : memref<!tpu.dma_semaphore, #tpu.memory_space<semaphore_mem>>)
      %dma_wait3A = arith.constant 0 : i32
      %dma_wait3A_35 = arith.constant 0 : i32
      %dma_wait3A_36 = tpu.memref_slice %arg2[%dma_wait3A, %dma_wait3A_35] : memref<10000x128xf32, #tpu.memory_space<hbm>> -> memref<10000x128xf32, #tpu.memory_space<hbm>>
      tpu.wait_indirect_dma semaphore(%arg13 : memref<!tpu.dma_semaphore, #tpu.memory_space<semaphore_mem>>) src(%dma_wait3A_36 : memref<10000x128xf32, #tpu.memory_space<hbm>>) dst(%arg10 : memref<125x128xf32, #tpu.memory_space<vmem>>)
      %dma_wait3A_37 = arith.constant 0 : i32
      %dma_wait3A_38 = arith.constant 0 : i32
      %dma_wait3A_39 = tpu.memref_slice %arg2[%dma_wait3A_37, %dma_wait3A_38] : memref<10000x128xf32, #tpu.memory_space<hbm>> -> memref<10000x128xf32, #tpu.memory_space<hbm>>
      tpu.wait_indirect_dma semaphore(%arg14 : memref<!tpu.dma_semaphore, #tpu.memory_space<semaphore_mem>>) src(%dma_wait3A_39 : memref<10000x128xf32, #tpu.memory_space<hbm>>) dst(%arg11 : memref<125x128xf32, #tpu.memory_space<vmem>>)
      %mul3A_40 = arith.constant 2 : i32
      %mul3A_41 = arith.muli %scan3A_15, %mul3A_40 : i32
      %add3A_42 = arith.constant 0 : i32
      %add3A_43 = arith.addi %mul3A_41, %add3A_42 : i32
      %mul3A_44 = arith.constant 40 : i32
      %mul3A_45 = arith.muli %add3A, %mul3A_44 : i32
      %add3A_46 = arith.addi %mul3A_45, %add3A_43 : i32
      "tpu.region"() ({
        %run_scoped3A = tpu.sem_alloc : memref<!tpu.dma_semaphore, #tpu.memory_space<semaphore_mem>>
        %dma_start3A_54 = arith.constant 0 : i32
        %dma_start3A_55 = tpu.memref_slice %arg4[%add3A_46, %dma_start3A_54] : memref<1280x125xi32, #tpu.memory_space<hbm>> -> memref<1x125xi32, #tpu.memory_space<hbm>>
        %dma_start3A_56 = tpu.memref_squeeze %dma_start3A_55 : memref<1x125xi32, #tpu.memory_space<hbm>> -> memref<125xi32, #tpu.memory_space<hbm>>
        %dma_start3A_57 = arith.constant 0 : i32
        %dma_start3A_58 = tpu.memref_slice %arg4[%add3A_46, %dma_start3A_57] : memref<1280x125xi32, #tpu.memory_space<hbm>> -> memref<1x125xi32, #tpu.memory_space<hbm>>
        %dma_start3A_59 = tpu.memref_squeeze %dma_start3A_58 : memref<1x125xi32, #tpu.memory_space<hbm>> -> memref<125xi32, #tpu.memory_space<hbm>>
        tpu.enqueue_dma source(%dma_start3A_59 : memref<125xi32, #tpu.memory_space<hbm>>) target(%arg9 : memref<125xi32, #tpu.memory_space<vmem>>) target_semaphore(%run_scoped3A : memref<!tpu.dma_semaphore, #tpu.memory_space<semaphore_mem>>)
        %dma_wait3A_60 = arith.constant 0 : i32
        %dma_wait3A_61 = tpu.memref_slice %arg4[%add3A_46, %dma_wait3A_60] : memref<1280x125xi32, #tpu.memory_space<hbm>> -> memref<1x125xi32, #tpu.memory_space<hbm>>
        %dma_wait3A_62 = tpu.memref_squeeze %dma_wait3A_61 : memref<1x125xi32, #tpu.memory_space<hbm>> -> memref<125xi32, #tpu.memory_space<hbm>>
        %dma_wait3A_63 = arith.constant 0 : i32
        %dma_wait3A_64 = tpu.memref_slice %arg4[%add3A_46, %dma_wait3A_63] : memref<1280x125xi32, #tpu.memory_space<hbm>> -> memref<1x125xi32, #tpu.memory_space<hbm>>
        %dma_wait3A_65 = tpu.memref_squeeze %dma_wait3A_64 : memref<1x125xi32, #tpu.memory_space<hbm>> -> memref<125xi32, #tpu.memory_space<hbm>>
        tpu.wait_dma2 semaphore(%run_scoped3A : memref<!tpu.dma_semaphore, #tpu.memory_space<semaphore_mem>>) src(%dma_wait3A_65 : memref<125xi32, #tpu.memory_space<hbm>>) dst(%arg9 : memref<125xi32, #tpu.memory_space<vmem>>)
        tpu.yield
      }) : () -> ()
      "tpu.region"() ({
        %run_scoped3A = tpu.sem_alloc : memref<!tpu.dma_semaphore, #tpu.memory_space<semaphore_mem>>
        %dma_start3A_54 = arith.constant 0 : i32
        %dma_start3A_55 = arith.constant 0 : i32
        %dma_start3A_56 = tpu.memref_slice %arg12[%dma_start3A_54, %dma_start3A_55] : memref<10240x128xf32, #tpu.memory_space<vmem_shared>> -> memref<10240x128xf32, #tpu.memory_space<vmem_shared>>
        tpu.enqueue_indirect_dma source(%arg10 : memref<125x128xf32, #tpu.memory_space<vmem>>) target(%dma_start3A_56 : memref<10240x128xf32, #tpu.memory_space<vmem_shared>>) offsets(%arg9 : memref<125xi32, #tpu.memory_space<vmem>>) semaphore(%run_scoped3A : memref<!tpu.dma_semaphore, #tpu.memory_space<semaphore_mem>>) {add = true}
        %dma_wait3A_57 = arith.constant 0 : i32
        %dma_wait3A_58 = arith.constant 0 : i32
        %dma_wait3A_59 = tpu.memref_slice %arg12[%dma_wait3A_57, %dma_wait3A_58] : memref<10240x128xf32, #tpu.memory_space<vmem_shared>> -> memref<10240x128xf32, #tpu.memory_space<vmem_shared>>
        tpu.wait_indirect_dma semaphore(%run_scoped3A : memref<!tpu.dma_semaphore, #tpu.memory_space<semaphore_mem>>) src(%arg10 : memref<125x128xf32, #tpu.memory_space<vmem>>) dst(%dma_wait3A_59 : memref<10240x128xf32, #tpu.memory_space<vmem_shared>>)
        tpu.yield
      }) : () -> ()
      %mul3A_47 = arith.constant 2 : i32
      %mul3A_48 = arith.muli %scan3A_15, %mul3A_47 : i32
      %add3A_49 = arith.constant 1 : i32
      %add3A_50 = arith.addi %mul3A_48, %add3A_49 : i32
      %mul3A_51 = arith.constant 40 : i32
      %mul3A_52 = arith.muli %add3A, %mul3A_51 : i32
      %add3A_53 = arith.addi %mul3A_52, %add3A_50 : i32
      "tpu.region"() ({
        %run_scoped3A = tpu.sem_alloc : memref<!tpu.dma_semaphore, #tpu.memory_space<semaphore_mem>>
        %dma_start3A_54 = arith.constant 0 : i32
        %dma_start3A_55 = tpu.memref_slice %arg4[%add3A_53, %dma_start3A_54] : memref<1280x125xi32, #tpu.memory_space<hbm>> -> memref<1x125xi32, #tpu.memory_space<hbm>>
        %dma_start3A_56 = tpu.memref_squeeze %dma_start3A_55 : memref<1x125xi32, #tpu.memory_space<hbm>> -> memref<125xi32, #tpu.memory_space<hbm>>
        %dma_start3A_57 = arith.constant 0 : i32
        %dma_start3A_58 = tpu.memref_slice %arg4[%add3A_53, %dma_start3A_57] : memref<1280x125xi32, #tpu.memory_space<hbm>> -> memref<1x125xi32, #tpu.memory_space<hbm>>
        %dma_start3A_59 = tpu.memref_squeeze %dma_start3A_58 : memref<1x125xi32, #tpu.memory_space<hbm>> -> memref<125xi32, #tpu.memory_space<hbm>>
        tpu.enqueue_dma source(%dma_start3A_59 : memref<125xi32, #tpu.memory_space<hbm>>) target(%arg9 : memref<125xi32, #tpu.memory_space<vmem>>) target_semaphore(%run_scoped3A : memref<!tpu.dma_semaphore, #tpu.memory_space<semaphore_mem>>)
        %dma_wait3A_60 = arith.constant 0 : i32
        %dma_wait3A_61 = tpu.memref_slice %arg4[%add3A_53, %dma_wait3A_60] : memref<1280x125xi32, #tpu.memory_space<hbm>> -> memref<1x125xi32, #tpu.memory_space<hbm>>
        %dma_wait3A_62 = tpu.memref_squeeze %dma_wait3A_61 : memref<1x125xi32, #tpu.memory_space<hbm>> -> memref<125xi32, #tpu.memory_space<hbm>>
        %dma_wait3A_63 = arith.constant 0 : i32
        %dma_wait3A_64 = tpu.memref_slice %arg4[%add3A_53, %dma_wait3A_63] : memref<1280x125xi32, #tpu.memory_space<hbm>> -> memref<1x125xi32, #tpu.memory_space<hbm>>
        %dma_wait3A_65 = tpu.memref_squeeze %dma_wait3A_64 : memref<1x125xi32, #tpu.memory_space<hbm>> -> memref<125xi32, #tpu.memory_space<hbm>>
        tpu.wait_dma2 semaphore(%run_scoped3A : memref<!tpu.dma_semaphore, #tpu.memory_space<semaphore_mem>>) src(%dma_wait3A_65 : memref<125xi32, #tpu.memory_space<hbm>>) dst(%arg9 : memref<125xi32, #tpu.memory_space<vmem>>)
        tpu.yield
      }) : () -> ()
      "tpu.region"() ({
        %run_scoped3A = tpu.sem_alloc : memref<!tpu.dma_semaphore, #tpu.memory_space<semaphore_mem>>
        %dma_start3A_54 = arith.constant 0 : i32
        %dma_start3A_55 = arith.constant 0 : i32
        %dma_start3A_56 = tpu.memref_slice %arg12[%dma_start3A_54, %dma_start3A_55] : memref<10240x128xf32, #tpu.memory_space<vmem_shared>> -> memref<10240x128xf32, #tpu.memory_space<vmem_shared>>
        tpu.enqueue_indirect_dma source(%arg11 : memref<125x128xf32, #tpu.memory_space<vmem>>) target(%dma_start3A_56 : memref<10240x128xf32, #tpu.memory_space<vmem_shared>>) offsets(%arg9 : memref<125xi32, #tpu.memory_space<vmem>>) semaphore(%run_scoped3A : memref<!tpu.dma_semaphore, #tpu.memory_space<semaphore_mem>>) {add = true}
        %dma_wait3A_57 = arith.constant 0 : i32
        %dma_wait3A_58 = arith.constant 0 : i32
        %dma_wait3A_59 = tpu.memref_slice %arg12[%dma_wait3A_57, %dma_wait3A_58] : memref<10240x128xf32, #tpu.memory_space<vmem_shared>> -> memref<10240x128xf32, #tpu.memory_space<vmem_shared>>
        tpu.wait_indirect_dma semaphore(%run_scoped3A : memref<!tpu.dma_semaphore, #tpu.memory_space<semaphore_mem>>) src(%arg11 : memref<125x128xf32, #tpu.memory_space<vmem>>) dst(%dma_wait3A_59 : memref<10240x128xf32, #tpu.memory_space<vmem_shared>>)
        tpu.yield
      }) : () -> ()
    }
    %scan3A_9 = arith.constant 20 : i32
    %barrier3A_10 = arith.constant 0 : index
    tpu.barrier barrier_id(%barrier3A_10)
    %mul3A_11 = arith.constant 640 : i32
    %mul3A_12 = arith.muli %arg1, %mul3A_11 : i32
    %mul3A_13 = arith.constant 640 : i32
    %mul3A_14 = arith.muli %arg1, %mul3A_13 : i32
    "tpu.region"() ({
      %run_scoped3A = tpu.sem_alloc : memref<!tpu.dma_semaphore, #tpu.memory_space<semaphore_mem>>
      %dma_start3A = arith.constant 0 : i32
      %dma_start3A_15 = tpu.memref_slice %arg6[%arg0, %mul3A_14, %dma_start3A] : memref<2x10240x128xf32, #tpu.memory_space<hbm>> -> memref<1x640x128xf32, #tpu.memory_space<hbm>>
      %dma_start3A_16 = tpu.memref_squeeze %dma_start3A_15 : memref<1x640x128xf32, #tpu.memory_space<hbm>> -> memref<640x128xf32, #tpu.memory_space<hbm>>
      %dma_start3A_17 = arith.constant 0 : i32
      %dma_start3A_18 = tpu.memref_slice %arg12[%mul3A_12, %dma_start3A_17] : memref<10240x128xf32, #tpu.memory_space<vmem_shared>> -> memref<640x128xf32, #tpu.memory_space<vmem_shared>>
      tpu.enqueue_dma source(%dma_start3A_18 : memref<640x128xf32, #tpu.memory_space<vmem_shared>>) target(%dma_start3A_16 : memref<640x128xf32, #tpu.memory_space<hbm>>) target_semaphore(%run_scoped3A : memref<!tpu.dma_semaphore, #tpu.memory_space<semaphore_mem>>)
      %dma_wait3A = arith.constant 0 : i32
      %dma_wait3A_19 = tpu.memref_slice %arg6[%arg0, %mul3A_14, %dma_wait3A] : memref<2x10240x128xf32, #tpu.memory_space<hbm>> -> memref<1x640x128xf32, #tpu.memory_space<hbm>>
      %dma_wait3A_20 = tpu.memref_squeeze %dma_wait3A_19 : memref<1x640x128xf32, #tpu.memory_space<hbm>> -> memref<640x128xf32, #tpu.memory_space<hbm>>
      %dma_wait3A_21 = arith.constant 0 : i32
      %dma_wait3A_22 = tpu.memref_slice %arg12[%mul3A_12, %dma_wait3A_21] : memref<10240x128xf32, #tpu.memory_space<vmem_shared>> -> memref<640x128xf32, #tpu.memory_space<vmem_shared>>
      tpu.wait_dma2 semaphore(%run_scoped3A : memref<!tpu.dma_semaphore, #tpu.memory_space<semaphore_mem>>) src(%dma_wait3A_22 : memref<640x128xf32, #tpu.memory_space<vmem_shared>>) dst(%dma_wait3A_20 : memref<640x128xf32, #tpu.memory_space<hbm>>)
      tpu.yield
    }) : () -> ()
    return
  }
}

#map = affine_map<(d0, d1) -> (0, 0)>
#map1 = affine_map<(d0, d1) -> (0, 0, 0)>
module attributes {stable_mosaic.version = 14 : i64} {
  func.func @_deg_body(%arg0: i32, %arg1: i32, %arg2: memref<1280x125xi32, #tpu.memory_space<hbm>>, %arg3: memref<125x8xf32, #tpu.memory_space<hbm>>, %arg4: memref<10240x8xf32, #tpu.memory_space<hbm>>, %arg5: memref<2x10240x8xf32, #tpu.memory_space<hbm>>, %arg6: memref<125x8xf32, #tpu.memory_space<vmem>>, %arg7: memref<125xi32, #tpu.memory_space<vmem>>, %arg8: memref<10240x8xf32, #tpu.memory_space<vmem_shared>>, %arg9: memref<!tpu.dma_semaphore, #tpu.memory_space<semaphore_mem>>) attributes {dimension_semantics = [#tpu.dimension_semantics<core_parallel>, #tpu.dimension_semantics<subcore_parallel>], iteration_bounds = array<i64: 2, 16>, scalar_prefetch = 0 : i64, scratch_operands = 4 : i64, tpu.core_type = #tpu.core_type<sc_vector_subcore>, window_params = [{transform_indices = #map}, {transform_indices = #map}, {transform_indices = #map}, {transform_indices = #map1}]} {
    %mul3A = arith.constant 2 : i32
    %mul3A_0 = arith.muli %arg1, %mul3A : i32
    %add3A = arith.addi %mul3A_0, %arg0 : i32
    %mul3A_1 = arith.constant 640 : i32
    %mul3A_2 = arith.muli %arg1, %mul3A_1 : i32
    %mul3A_3 = arith.constant 640 : i32
    %mul3A_4 = arith.muli %arg1, %mul3A_3 : i32
    "tpu.region"() ({
      %run_scoped3A = tpu.sem_alloc : memref<!tpu.dma_semaphore, #tpu.memory_space<semaphore_mem>>
      %dma_start3A = arith.constant 0 : i32
      %dma_start3A_15 = tpu.memref_slice %arg8[%mul3A_4, %dma_start3A] : memref<10240x8xf32, #tpu.memory_space<vmem_shared>> -> memref<640x8xf32, #tpu.memory_space<vmem_shared>>
      %dma_start3A_16 = arith.constant 0 : i32
      %dma_start3A_17 = tpu.memref_slice %arg4[%mul3A_2, %dma_start3A_16] : memref<10240x8xf32, #tpu.memory_space<hbm>> -> memref<640x8xf32, #tpu.memory_space<hbm>>
      tpu.enqueue_dma source(%dma_start3A_17 : memref<640x8xf32, #tpu.memory_space<hbm>>) target(%dma_start3A_15 : memref<640x8xf32, #tpu.memory_space<vmem_shared>>) target_semaphore(%run_scoped3A : memref<!tpu.dma_semaphore, #tpu.memory_space<semaphore_mem>>)
      %dma_wait3A = arith.constant 0 : i32
      %dma_wait3A_18 = tpu.memref_slice %arg8[%mul3A_4, %dma_wait3A] : memref<10240x8xf32, #tpu.memory_space<vmem_shared>> -> memref<640x8xf32, #tpu.memory_space<vmem_shared>>
      %dma_wait3A_19 = arith.constant 0 : i32
      %dma_wait3A_20 = tpu.memref_slice %arg4[%mul3A_2, %dma_wait3A_19] : memref<10240x8xf32, #tpu.memory_space<hbm>> -> memref<640x8xf32, #tpu.memory_space<hbm>>
      tpu.wait_dma2 semaphore(%run_scoped3A : memref<!tpu.dma_semaphore, #tpu.memory_space<semaphore_mem>>) src(%dma_wait3A_20 : memref<640x8xf32, #tpu.memory_space<hbm>>) dst(%dma_wait3A_18 : memref<640x8xf32, #tpu.memory_space<vmem_shared>>)
      tpu.yield
    }) : () -> ()
    "tpu.region"() ({
      %run_scoped3A = tpu.sem_alloc : memref<!tpu.dma_semaphore, #tpu.memory_space<semaphore_mem>>
      tpu.enqueue_dma source(%arg3 : memref<125x8xf32, #tpu.memory_space<hbm>>) target(%arg6 : memref<125x8xf32, #tpu.memory_space<vmem>>) target_semaphore(%run_scoped3A : memref<!tpu.dma_semaphore, #tpu.memory_space<semaphore_mem>>)
      tpu.wait_dma2 semaphore(%run_scoped3A : memref<!tpu.dma_semaphore, #tpu.memory_space<semaphore_mem>>) src(%arg3 : memref<125x8xf32, #tpu.memory_space<hbm>>) dst(%arg6 : memref<125x8xf32, #tpu.memory_space<vmem>>)
      tpu.yield
    }) : () -> ()
    %barrier3A = arith.constant 0 : index
    tpu.barrier barrier_id(%barrier3A)
    %scan3A = arith.constant 0 : i32
    %scan3A_5 = arith.constant 0 : i32
    %scan3A_6 = arith.constant 40 : i32
    %scan3A_7 = arith.addi %scan3A_5, %scan3A_6 : i32
    %scan3A_8 = arith.constant 1 : i32
    scf.for %scan3A_15 = %scan3A_5 to %scan3A_7 step %scan3A_8  : i32 {
      %mul3A_16 = arith.constant 40 : i32
      %mul3A_17 = arith.muli %add3A, %mul3A_16 : i32
      %add3A_18 = arith.addi %mul3A_17, %scan3A_15 : i32
      "tpu.region"() ({
        %run_scoped3A = tpu.sem_alloc : memref<!tpu.dma_semaphore, #tpu.memory_space<semaphore_mem>>
        %dma_start3A = arith.constant 0 : i32
        %dma_start3A_19 = tpu.memref_slice %arg2[%add3A_18, %dma_start3A] : memref<1280x125xi32, #tpu.memory_space<hbm>> -> memref<1x125xi32, #tpu.memory_space<hbm>>
        %dma_start3A_20 = tpu.memref_squeeze %dma_start3A_19 : memref<1x125xi32, #tpu.memory_space<hbm>> -> memref<125xi32, #tpu.memory_space<hbm>>
        %dma_start3A_21 = arith.constant 0 : i32
        %dma_start3A_22 = tpu.memref_slice %arg2[%add3A_18, %dma_start3A_21] : memref<1280x125xi32, #tpu.memory_space<hbm>> -> memref<1x125xi32, #tpu.memory_space<hbm>>
        %dma_start3A_23 = tpu.memref_squeeze %dma_start3A_22 : memref<1x125xi32, #tpu.memory_space<hbm>> -> memref<125xi32, #tpu.memory_space<hbm>>
        tpu.enqueue_dma source(%dma_start3A_23 : memref<125xi32, #tpu.memory_space<hbm>>) target(%arg7 : memref<125xi32, #tpu.memory_space<vmem>>) target_semaphore(%run_scoped3A : memref<!tpu.dma_semaphore, #tpu.memory_space<semaphore_mem>>)
        %dma_wait3A = arith.constant 0 : i32
        %dma_wait3A_24 = tpu.memref_slice %arg2[%add3A_18, %dma_wait3A] : memref<1280x125xi32, #tpu.memory_space<hbm>> -> memref<1x125xi32, #tpu.memory_space<hbm>>
        %dma_wait3A_25 = tpu.memref_squeeze %dma_wait3A_24 : memref<1x125xi32, #tpu.memory_space<hbm>> -> memref<125xi32, #tpu.memory_space<hbm>>
        %dma_wait3A_26 = arith.constant 0 : i32
        %dma_wait3A_27 = tpu.memref_slice %arg2[%add3A_18, %dma_wait3A_26] : memref<1280x125xi32, #tpu.memory_space<hbm>> -> memref<1x125xi32, #tpu.memory_space<hbm>>
        %dma_wait3A_28 = tpu.memref_squeeze %dma_wait3A_27 : memref<1x125xi32, #tpu.memory_space<hbm>> -> memref<125xi32, #tpu.memory_space<hbm>>
        tpu.wait_dma2 semaphore(%run_scoped3A : memref<!tpu.dma_semaphore, #tpu.memory_space<semaphore_mem>>) src(%dma_wait3A_28 : memref<125xi32, #tpu.memory_space<hbm>>) dst(%arg7 : memref<125xi32, #tpu.memory_space<vmem>>)
        tpu.yield
      }) : () -> ()
      "tpu.region"() ({
        %run_scoped3A = tpu.sem_alloc : memref<!tpu.dma_semaphore, #tpu.memory_space<semaphore_mem>>
        %dma_start3A = arith.constant 0 : i32
        %dma_start3A_19 = arith.constant 0 : i32
        %dma_start3A_20 = tpu.memref_slice %arg8[%dma_start3A, %dma_start3A_19] : memref<10240x8xf32, #tpu.memory_space<vmem_shared>> -> memref<10240x8xf32, #tpu.memory_space<vmem_shared>>
        tpu.enqueue_indirect_dma source(%arg6 : memref<125x8xf32, #tpu.memory_space<vmem>>) target(%dma_start3A_20 : memref<10240x8xf32, #tpu.memory_space<vmem_shared>>) offsets(%arg7 : memref<125xi32, #tpu.memory_space<vmem>>) semaphore(%run_scoped3A : memref<!tpu.dma_semaphore, #tpu.memory_space<semaphore_mem>>) {add = true}
        %dma_wait3A = arith.constant 0 : i32
        %dma_wait3A_21 = arith.constant 0 : i32
        %dma_wait3A_22 = tpu.memref_slice %arg8[%dma_wait3A, %dma_wait3A_21] : memref<10240x8xf32, #tpu.memory_space<vmem_shared>> -> memref<10240x8xf32, #tpu.memory_space<vmem_shared>>
        tpu.wait_indirect_dma semaphore(%run_scoped3A : memref<!tpu.dma_semaphore, #tpu.memory_space<semaphore_mem>>) src(%arg6 : memref<125x8xf32, #tpu.memory_space<vmem>>) dst(%dma_wait3A_22 : memref<10240x8xf32, #tpu.memory_space<vmem_shared>>)
        tpu.yield
      }) : () -> ()
    }
    %scan3A_9 = arith.constant 40 : i32
    %barrier3A_10 = arith.constant 0 : index
    tpu.barrier barrier_id(%barrier3A_10)
    %mul3A_11 = arith.constant 640 : i32
    %mul3A_12 = arith.muli %arg1, %mul3A_11 : i32
    %mul3A_13 = arith.constant 640 : i32
    %mul3A_14 = arith.muli %arg1, %mul3A_13 : i32
    "tpu.region"() ({
      %run_scoped3A = tpu.sem_alloc : memref<!tpu.dma_semaphore, #tpu.memory_space<semaphore_mem>>
      %dma_start3A = arith.constant 0 : i32
      %dma_start3A_15 = tpu.memref_slice %arg5[%arg0, %mul3A_14, %dma_start3A] : memref<2x10240x8xf32, #tpu.memory_space<hbm>> -> memref<1x640x8xf32, #tpu.memory_space<hbm>>
      %dma_start3A_16 = tpu.memref_squeeze %dma_start3A_15 : memref<1x640x8xf32, #tpu.memory_space<hbm>> -> memref<640x8xf32, #tpu.memory_space<hbm>>
      %dma_start3A_17 = arith.constant 0 : i32
      %dma_start3A_18 = tpu.memref_slice %arg8[%mul3A_12, %dma_start3A_17] : memref<10240x8xf32, #tpu.memory_space<vmem_shared>> -> memref<640x8xf32, #tpu.memory_space<vmem_shared>>
      tpu.enqueue_dma source(%dma_start3A_18 : memref<640x8xf32, #tpu.memory_space<vmem_shared>>) target(%dma_start3A_16 : memref<640x8xf32, #tpu.memory_space<hbm>>) target_semaphore(%run_scoped3A : memref<!tpu.dma_semaphore, #tpu.memory_space<semaphore_mem>>)
      %dma_wait3A = arith.constant 0 : i32
      %dma_wait3A_19 = tpu.memref_slice %arg5[%arg0, %mul3A_14, %dma_wait3A] : memref<2x10240x8xf32, #tpu.memory_space<hbm>> -> memref<1x640x8xf32, #tpu.memory_space<hbm>>
      %dma_wait3A_20 = tpu.memref_squeeze %dma_wait3A_19 : memref<1x640x8xf32, #tpu.memory_space<hbm>> -> memref<640x8xf32, #tpu.memory_space<hbm>>
      %dma_wait3A_21 = arith.constant 0 : i32
      %dma_wait3A_22 = tpu.memref_slice %arg8[%mul3A_12, %dma_wait3A_21] : memref<10240x8xf32, #tpu.memory_space<vmem_shared>> -> memref<640x8xf32, #tpu.memory_space<vmem_shared>>
      tpu.wait_dma2 semaphore(%run_scoped3A : memref<!tpu.dma_semaphore, #tpu.memory_space<semaphore_mem>>) src(%dma_wait3A_22 : memref<640x8xf32, #tpu.memory_space<vmem_shared>>) dst(%dma_wait3A_20 : memref<640x8xf32, #tpu.memory_space<hbm>>)
      tpu.yield
    }) : () -> ()
    return
  }
}

#map = affine_map<(d0, d1) -> (0, 0)>
#map1 = affine_map<(d0, d1) -> (0, 0, 0)>
module attributes {stable_mosaic.version = 14 : i64} {
  func.func @_prop_body(%arg0: i32, %arg1: i32, %arg2: memref<10000x128xf32, #tpu.memory_space<hbm>>, %arg3: memref<1280x125xi32, #tpu.memory_space<hbm>>, %arg4: memref<1280x125xi32, #tpu.memory_space<hbm>>, %arg5: memref<10240x128xf32, #tpu.memory_space<hbm>>, %arg6: memref<2x10240x128xf32, #tpu.memory_space<hbm>>, %arg7: memref<125xi32, #tpu.memory_space<vmem>>, %arg8: memref<125xi32, #tpu.memory_space<vmem>>, %arg9: memref<125xi32, #tpu.memory_space<vmem>>, %arg10: memref<125x128xf32, #tpu.memory_space<vmem>>, %arg11: memref<125x128xf32, #tpu.memory_space<vmem>>, %arg12: memref<10240x128xf32, #tpu.memory_space<vmem_shared>>, %arg13: memref<!tpu.dma_semaphore, #tpu.memory_space<semaphore_mem>>, %arg14: memref<!tpu.dma_semaphore, #tpu.memory_space<semaphore_mem>>) attributes {dimension_semantics = [#tpu.dimension_semantics<core_parallel>, #tpu.dimension_semantics<subcore_parallel>], iteration_bounds = array<i64: 2, 16>, scalar_prefetch = 0 : i64, scratch_operands = 8 : i64, tpu.core_type = #tpu.core_type<sc_vector_subcore>, window_params = [{transform_indices = #map}, {transform_indices = #map}, {transform_indices = #map}, {transform_indices = #map}, {transform_indices = #map1}]} {
    %mul3A = arith.constant 2 : i32
    %mul3A_0 = arith.muli %arg1, %mul3A : i32
    %add3A = arith.addi %mul3A_0, %arg0 : i32
    %mul3A_1 = arith.constant 640 : i32
    %mul3A_2 = arith.muli %arg1, %mul3A_1 : i32
    %mul3A_3 = arith.constant 640 : i32
    %mul3A_4 = arith.muli %arg1, %mul3A_3 : i32
    "tpu.region"() ({
      %run_scoped3A = tpu.sem_alloc : memref<!tpu.dma_semaphore, #tpu.memory_space<semaphore_mem>>
      %dma_start3A = arith.constant 0 : i32
      %dma_start3A_15 = tpu.memref_slice %arg12[%mul3A_4, %dma_start3A] : memref<10240x128xf32, #tpu.memory_space<vmem_shared>> -> memref<640x128xf32, #tpu.memory_space<vmem_shared>>
      %dma_start3A_16 = arith.constant 0 : i32
      %dma_start3A_17 = tpu.memref_slice %arg5[%mul3A_2, %dma_start3A_16] : memref<10240x128xf32, #tpu.memory_space<hbm>> -> memref<640x128xf32, #tpu.memory_space<hbm>>
      tpu.enqueue_dma source(%dma_start3A_17 : memref<640x128xf32, #tpu.memory_space<hbm>>) target(%dma_start3A_15 : memref<640x128xf32, #tpu.memory_space<vmem_shared>>) target_semaphore(%run_scoped3A : memref<!tpu.dma_semaphore, #tpu.memory_space<semaphore_mem>>)
      %dma_wait3A = arith.constant 0 : i32
      %dma_wait3A_18 = tpu.memref_slice %arg12[%mul3A_4, %dma_wait3A] : memref<10240x128xf32, #tpu.memory_space<vmem_shared>> -> memref<640x128xf32, #tpu.memory_space<vmem_shared>>
      %dma_wait3A_19 = arith.constant 0 : i32
      %dma_wait3A_20 = tpu.memref_slice %arg5[%mul3A_2, %dma_wait3A_19] : memref<10240x128xf32, #tpu.memory_space<hbm>> -> memref<640x128xf32, #tpu.memory_space<hbm>>
      tpu.wait_dma2 semaphore(%run_scoped3A : memref<!tpu.dma_semaphore, #tpu.memory_space<semaphore_mem>>) src(%dma_wait3A_20 : memref<640x128xf32, #tpu.memory_space<hbm>>) dst(%dma_wait3A_18 : memref<640x128xf32, #tpu.memory_space<vmem_shared>>)
      tpu.yield
    }) : () -> ()
    %barrier3A = arith.constant 0 : index
    tpu.barrier barrier_id(%barrier3A)
    %scan3A = arith.constant 0 : i32
    %scan3A_5 = arith.constant 0 : i32
    %scan3A_6 = arith.constant 20 : i32
    %scan3A_7 = arith.addi %scan3A_5, %scan3A_6 : i32
    %scan3A_8 = arith.constant 1 : i32
    scf.for %scan3A_15 = %scan3A_5 to %scan3A_7 step %scan3A_8  : i32 {
      %mul3A_16 = arith.constant 2 : i32
      %mul3A_17 = arith.muli %scan3A_15, %mul3A_16 : i32
      %add3A_18 = arith.constant 0 : i32
      %add3A_19 = arith.addi %mul3A_17, %add3A_18 : i32
      %mul3A_20 = arith.constant 40 : i32
      %mul3A_21 = arith.muli %add3A, %mul3A_20 : i32
      %add3A_22 = arith.addi %mul3A_21, %add3A_19 : i32
      "tpu.region"() ({
        %run_scoped3A = tpu.sem_alloc : memref<!tpu.dma_semaphore, #tpu.memory_space<semaphore_mem>>
        %dma_start3A_54 = arith.constant 0 : i32
        %dma_start3A_55 = tpu.memref_slice %arg3[%add3A_22, %dma_start3A_54] : memref<1280x125xi32, #tpu.memory_space<hbm>> -> memref<1x125xi32, #tpu.memory_space<hbm>>
        %dma_start3A_56 = tpu.memref_squeeze %dma_start3A_55 : memref<1x125xi32, #tpu.memory_space<hbm>> -> memref<125xi32, #tpu.memory_space<hbm>>
        %dma_start3A_57 = arith.constant 0 : i32
        %dma_start3A_58 = tpu.memref_slice %arg3[%add3A_22, %dma_start3A_57] : memref<1280x125xi32, #tpu.memory_space<hbm>> -> memref<1x125xi32, #tpu.memory_space<hbm>>
        %dma_start3A_59 = tpu.memref_squeeze %dma_start3A_58 : memref<1x125xi32, #tpu.memory_space<hbm>> -> memref<125xi32, #tpu.memory_space<hbm>>
        tpu.enqueue_dma source(%dma_start3A_59 : memref<125xi32, #tpu.memory_space<hbm>>) target(%arg7 : memref<125xi32, #tpu.memory_space<vmem>>) target_semaphore(%run_scoped3A : memref<!tpu.dma_semaphore, #tpu.memory_space<semaphore_mem>>)
        %dma_wait3A_60 = arith.constant 0 : i32
        %dma_wait3A_61 = tpu.memref_slice %arg3[%add3A_22, %dma_wait3A_60] : memref<1280x125xi32, #tpu.memory_space<hbm>> -> memref<1x125xi32, #tpu.memory_space<hbm>>
        %dma_wait3A_62 = tpu.memref_squeeze %dma_wait3A_61 : memref<1x125xi32, #tpu.memory_space<hbm>> -> memref<125xi32, #tpu.memory_space<hbm>>
        %dma_wait3A_63 = arith.constant 0 : i32
        %dma_wait3A_64 = tpu.memref_slice %arg3[%add3A_22, %dma_wait3A_63] : memref<1280x125xi32, #tpu.memory_space<hbm>> -> memref<1x125xi32, #tpu.memory_space<hbm>>
        %dma_wait3A_65 = tpu.memref_squeeze %dma_wait3A_64 : memref<1x125xi32, #tpu.memory_space<hbm>> -> memref<125xi32, #tpu.memory_space<hbm>>
        tpu.wait_dma2 semaphore(%run_scoped3A : memref<!tpu.dma_semaphore, #tpu.memory_space<semaphore_mem>>) src(%dma_wait3A_65 : memref<125xi32, #tpu.memory_space<hbm>>) dst(%arg7 : memref<125xi32, #tpu.memory_space<vmem>>)
        tpu.yield
      }) : () -> ()
      %dma_start3A = arith.constant 0 : i32
      %dma_start3A_23 = arith.constant 0 : i32
      %dma_start3A_24 = tpu.memref_slice %arg2[%dma_start3A, %dma_start3A_23] : memref<10000x128xf32, #tpu.memory_space<hbm>> -> memref<10000x128xf32, #tpu.memory_space<hbm>>
      tpu.enqueue_indirect_dma source(%dma_start3A_24 : memref<10000x128xf32, #tpu.memory_space<hbm>>) target(%arg10 : memref<125x128xf32, #tpu.memory_space<vmem>>) offsets(%arg7 : memref<125xi32, #tpu.memory_space<vmem>>) semaphore(%arg13 : memref<!tpu.dma_semaphore, #tpu.memory_space<semaphore_mem>>)
      %mul3A_25 = arith.constant 2 : i32
      %mul3A_26 = arith.muli %scan3A_15, %mul3A_25 : i32
      %add3A_27 = arith.constant 1 : i32
      %add3A_28 = arith.addi %mul3A_26, %add3A_27 : i32
      %mul3A_29 = arith.constant 40 : i32
      %mul3A_30 = arith.muli %add3A, %mul3A_29 : i32
      %add3A_31 = arith.addi %mul3A_30, %add3A_28 : i32
      "tpu.region"() ({
        %run_scoped3A = tpu.sem_alloc : memref<!tpu.dma_semaphore, #tpu.memory_space<semaphore_mem>>
        %dma_start3A_54 = arith.constant 0 : i32
        %dma_start3A_55 = tpu.memref_slice %arg3[%add3A_31, %dma_start3A_54] : memref<1280x125xi32, #tpu.memory_space<hbm>> -> memref<1x125xi32, #tpu.memory_space<hbm>>
        %dma_start3A_56 = tpu.memref_squeeze %dma_start3A_55 : memref<1x125xi32, #tpu.memory_space<hbm>> -> memref<125xi32, #tpu.memory_space<hbm>>
        %dma_start3A_57 = arith.constant 0 : i32
        %dma_start3A_58 = tpu.memref_slice %arg3[%add3A_31, %dma_start3A_57] : memref<1280x125xi32, #tpu.memory_space<hbm>> -> memref<1x125xi32, #tpu.memory_space<hbm>>
        %dma_start3A_59 = tpu.memref_squeeze %dma_start3A_58 : memref<1x125xi32, #tpu.memory_space<hbm>> -> memref<125xi32, #tpu.memory_space<hbm>>
        tpu.enqueue_dma source(%dma_start3A_59 : memref<125xi32, #tpu.memory_space<hbm>>) target(%arg8 : memref<125xi32, #tpu.memory_space<vmem>>) target_semaphore(%run_scoped3A : memref<!tpu.dma_semaphore, #tpu.memory_space<semaphore_mem>>)
        %dma_wait3A_60 = arith.constant 0 : i32
        %dma_wait3A_61 = tpu.memref_slice %arg3[%add3A_31, %dma_wait3A_60] : memref<1280x125xi32, #tpu.memory_space<hbm>> -> memref<1x125xi32, #tpu.memory_space<hbm>>
        %dma_wait3A_62 = tpu.memref_squeeze %dma_wait3A_61 : memref<1x125xi32, #tpu.memory_space<hbm>> -> memref<125xi32, #tpu.memory_space<hbm>>
        %dma_wait3A_63 = arith.constant 0 : i32
        %dma_wait3A_64 = tpu.memref_slice %arg3[%add3A_31, %dma_wait3A_63] : memref<1280x125xi32, #tpu.memory_space<hbm>> -> memref<1x125xi32, #tpu.memory_space<hbm>>
        %dma_wait3A_65 = tpu.memref_squeeze %dma_wait3A_64 : memref<1x125xi32, #tpu.memory_space<hbm>> -> memref<125xi32, #tpu.memory_space<hbm>>
        tpu.wait_dma2 semaphore(%run_scoped3A : memref<!tpu.dma_semaphore, #tpu.memory_space<semaphore_mem>>) src(%dma_wait3A_65 : memref<125xi32, #tpu.memory_space<hbm>>) dst(%arg8 : memref<125xi32, #tpu.memory_space<vmem>>)
        tpu.yield
      }) : () -> ()
      %dma_start3A_32 = arith.constant 0 : i32
      %dma_start3A_33 = arith.constant 0 : i32
      %dma_start3A_34 = tpu.memref_slice %arg2[%dma_start3A_32, %dma_start3A_33] : memref<10000x128xf32, #tpu.memory_space<hbm>> -> memref<10000x128xf32, #tpu.memory_space<hbm>>
      tpu.enqueue_indirect_dma source(%dma_start3A_34 : memref<10000x128xf32, #tpu.memory_space<hbm>>) target(%arg11 : memref<125x128xf32, #tpu.memory_space<vmem>>) offsets(%arg8 : memref<125xi32, #tpu.memory_space<vmem>>) semaphore(%arg14 : memref<!tpu.dma_semaphore, #tpu.memory_space<semaphore_mem>>)
      %dma_wait3A = arith.constant 0 : i32
      %dma_wait3A_35 = arith.constant 0 : i32
      %dma_wait3A_36 = tpu.memref_slice %arg2[%dma_wait3A, %dma_wait3A_35] : memref<10000x128xf32, #tpu.memory_space<hbm>> -> memref<10000x128xf32, #tpu.memory_space<hbm>>
      tpu.wait_indirect_dma semaphore(%arg13 : memref<!tpu.dma_semaphore, #tpu.memory_space<semaphore_mem>>) src(%dma_wait3A_36 : memref<10000x128xf32, #tpu.memory_space<hbm>>) dst(%arg10 : memref<125x128xf32, #tpu.memory_space<vmem>>)
      %dma_wait3A_37 = arith.constant 0 : i32
      %dma_wait3A_38 = arith.constant 0 : i32
      %dma_wait3A_39 = tpu.memref_slice %arg2[%dma_wait3A_37, %dma_wait3A_38] : memref<10000x128xf32, #tpu.memory_space<hbm>> -> memref<10000x128xf32, #tpu.memory_space<hbm>>
      tpu.wait_indirect_dma semaphore(%arg14 : memref<!tpu.dma_semaphore, #tpu.memory_space<semaphore_mem>>) src(%dma_wait3A_39 : memref<10000x128xf32, #tpu.memory_space<hbm>>) dst(%arg11 : memref<125x128xf32, #tpu.memory_space<vmem>>)
      %mul3A_40 = arith.constant 2 : i32
      %mul3A_41 = arith.muli %scan3A_15, %mul3A_40 : i32
      %add3A_42 = arith.constant 0 : i32
      %add3A_43 = arith.addi %mul3A_41, %add3A_42 : i32
      %mul3A_44 = arith.constant 40 : i32
      %mul3A_45 = arith.muli %add3A, %mul3A_44 : i32
      %add3A_46 = arith.addi %mul3A_45, %add3A_43 : i32
      "tpu.region"() ({
        %run_scoped3A = tpu.sem_alloc : memref<!tpu.dma_semaphore, #tpu.memory_space<semaphore_mem>>
        %dma_start3A_54 = arith.constant 0 : i32
        %dma_start3A_55 = tpu.memref_slice %arg4[%add3A_46, %dma_start3A_54] : memref<1280x125xi32, #tpu.memory_space<hbm>> -> memref<1x125xi32, #tpu.memory_space<hbm>>
        %dma_start3A_56 = tpu.memref_squeeze %dma_start3A_55 : memref<1x125xi32, #tpu.memory_space<hbm>> -> memref<125xi32, #tpu.memory_space<hbm>>
        %dma_start3A_57 = arith.constant 0 : i32
        %dma_start3A_58 = tpu.memref_slice %arg4[%add3A_46, %dma_start3A_57] : memref<1280x125xi32, #tpu.memory_space<hbm>> -> memref<1x125xi32, #tpu.memory_space<hbm>>
        %dma_start3A_59 = tpu.memref_squeeze %dma_start3A_58 : memref<1x125xi32, #tpu.memory_space<hbm>> -> memref<125xi32, #tpu.memory_space<hbm>>
        tpu.enqueue_dma source(%dma_start3A_59 : memref<125xi32, #tpu.memory_space<hbm>>) target(%arg9 : memref<125xi32, #tpu.memory_space<vmem>>) target_semaphore(%run_scoped3A : memref<!tpu.dma_semaphore, #tpu.memory_space<semaphore_mem>>)
        %dma_wait3A_60 = arith.constant 0 : i32
        %dma_wait3A_61 = tpu.memref_slice %arg4[%add3A_46, %dma_wait3A_60] : memref<1280x125xi32, #tpu.memory_space<hbm>> -> memref<1x125xi32, #tpu.memory_space<hbm>>
        %dma_wait3A_62 = tpu.memref_squeeze %dma_wait3A_61 : memref<1x125xi32, #tpu.memory_space<hbm>> -> memref<125xi32, #tpu.memory_space<hbm>>
        %dma_wait3A_63 = arith.constant 0 : i32
        %dma_wait3A_64 = tpu.memref_slice %arg4[%add3A_46, %dma_wait3A_63] : memref<1280x125xi32, #tpu.memory_space<hbm>> -> memref<1x125xi32, #tpu.memory_space<hbm>>
        %dma_wait3A_65 = tpu.memref_squeeze %dma_wait3A_64 : memref<1x125xi32, #tpu.memory_space<hbm>> -> memref<125xi32, #tpu.memory_space<hbm>>
        tpu.wait_dma2 semaphore(%run_scoped3A : memref<!tpu.dma_semaphore, #tpu.memory_space<semaphore_mem>>) src(%dma_wait3A_65 : memref<125xi32, #tpu.memory_space<hbm>>) dst(%arg9 : memref<125xi32, #tpu.memory_space<vmem>>)
        tpu.yield
      }) : () -> ()
      "tpu.region"() ({
        %run_scoped3A = tpu.sem_alloc : memref<!tpu.dma_semaphore, #tpu.memory_space<semaphore_mem>>
        %dma_start3A_54 = arith.constant 0 : i32
        %dma_start3A_55 = arith.constant 0 : i32
        %dma_start3A_56 = tpu.memref_slice %arg12[%dma_start3A_54, %dma_start3A_55] : memref<10240x128xf32, #tpu.memory_space<vmem_shared>> -> memref<10240x128xf32, #tpu.memory_space<vmem_shared>>
        tpu.enqueue_indirect_dma source(%arg10 : memref<125x128xf32, #tpu.memory_space<vmem>>) target(%dma_start3A_56 : memref<10240x128xf32, #tpu.memory_space<vmem_shared>>) offsets(%arg9 : memref<125xi32, #tpu.memory_space<vmem>>) semaphore(%run_scoped3A : memref<!tpu.dma_semaphore, #tpu.memory_space<semaphore_mem>>) {add = true}
        %dma_wait3A_57 = arith.constant 0 : i32
        %dma_wait3A_58 = arith.constant 0 : i32
        %dma_wait3A_59 = tpu.memref_slice %arg12[%dma_wait3A_57, %dma_wait3A_58] : memref<10240x128xf32, #tpu.memory_space<vmem_shared>> -> memref<10240x128xf32, #tpu.memory_space<vmem_shared>>
        tpu.wait_indirect_dma semaphore(%run_scoped3A : memref<!tpu.dma_semaphore, #tpu.memory_space<semaphore_mem>>) src(%arg10 : memref<125x128xf32, #tpu.memory_space<vmem>>) dst(%dma_wait3A_59 : memref<10240x128xf32, #tpu.memory_space<vmem_shared>>)
        tpu.yield
      }) : () -> ()
      %mul3A_47 = arith.constant 2 : i32
      %mul3A_48 = arith.muli %scan3A_15, %mul3A_47 : i32
      %add3A_49 = arith.constant 1 : i32
      %add3A_50 = arith.addi %mul3A_48, %add3A_49 : i32
      %mul3A_51 = arith.constant 40 : i32
      %mul3A_52 = arith.muli %add3A, %mul3A_51 : i32
      %add3A_53 = arith.addi %mul3A_52, %add3A_50 : i32
      "tpu.region"() ({
        %run_scoped3A = tpu.sem_alloc : memref<!tpu.dma_semaphore, #tpu.memory_space<semaphore_mem>>
        %dma_start3A_54 = arith.constant 0 : i32
        %dma_start3A_55 = tpu.memref_slice %arg4[%add3A_53, %dma_start3A_54] : memref<1280x125xi32, #tpu.memory_space<hbm>> -> memref<1x125xi32, #tpu.memory_space<hbm>>
        %dma_start3A_56 = tpu.memref_squeeze %dma_start3A_55 : memref<1x125xi32, #tpu.memory_space<hbm>> -> memref<125xi32, #tpu.memory_space<hbm>>
        %dma_start3A_57 = arith.constant 0 : i32
        %dma_start3A_58 = tpu.memref_slice %arg4[%add3A_53, %dma_start3A_57] : memref<1280x125xi32, #tpu.memory_space<hbm>> -> memref<1x125xi32, #tpu.memory_space<hbm>>
        %dma_start3A_59 = tpu.memref_squeeze %dma_start3A_58 : memref<1x125xi32, #tpu.memory_space<hbm>> -> memref<125xi32, #tpu.memory_space<hbm>>
        tpu.enqueue_dma source(%dma_start3A_59 : memref<125xi32, #tpu.memory_space<hbm>>) target(%arg9 : memref<125xi32, #tpu.memory_space<vmem>>) target_semaphore(%run_scoped3A : memref<!tpu.dma_semaphore, #tpu.memory_space<semaphore_mem>>)
        %dma_wait3A_60 = arith.constant 0 : i32
        %dma_wait3A_61 = tpu.memref_slice %arg4[%add3A_53, %dma_wait3A_60] : memref<1280x125xi32, #tpu.memory_space<hbm>> -> memref<1x125xi32, #tpu.memory_space<hbm>>
        %dma_wait3A_62 = tpu.memref_squeeze %dma_wait3A_61 : memref<1x125xi32, #tpu.memory_space<hbm>> -> memref<125xi32, #tpu.memory_space<hbm>>
        %dma_wait3A_63 = arith.constant 0 : i32
        %dma_wait3A_64 = tpu.memref_slice %arg4[%add3A_53, %dma_wait3A_63] : memref<1280x125xi32, #tpu.memory_space<hbm>> -> memref<1x125xi32, #tpu.memory_space<hbm>>
        %dma_wait3A_65 = tpu.memref_squeeze %dma_wait3A_64 : memref<1x125xi32, #tpu.memory_space<hbm>> -> memref<125xi32, #tpu.memory_space<hbm>>
        tpu.wait_dma2 semaphore(%run_scoped3A : memref<!tpu.dma_semaphore, #tpu.memory_space<semaphore_mem>>) src(%dma_wait3A_65 : memref<125xi32, #tpu.memory_space<hbm>>) dst(%arg9 : memref<125xi32, #tpu.memory_space<vmem>>)
        tpu.yield
      }) : () -> ()
      "tpu.region"() ({
        %run_scoped3A = tpu.sem_alloc : memref<!tpu.dma_semaphore, #tpu.memory_space<semaphore_mem>>
        %dma_start3A_54 = arith.constant 0 : i32
        %dma_start3A_55 = arith.constant 0 : i32
        %dma_start3A_56 = tpu.memref_slice %arg12[%dma_start3A_54, %dma_start3A_55] : memref<10240x128xf32, #tpu.memory_space<vmem_shared>> -> memref<10240x128xf32, #tpu.memory_space<vmem_shared>>
        tpu.enqueue_indirect_dma source(%arg11 : memref<125x128xf32, #tpu.memory_space<vmem>>) target(%dma_start3A_56 : memref<10240x128xf32, #tpu.memory_space<vmem_shared>>) offsets(%arg9 : memref<125xi32, #tpu.memory_space<vmem>>) semaphore(%run_scoped3A : memref<!tpu.dma_semaphore, #tpu.memory_space<semaphore_mem>>) {add = true}
        %dma_wait3A_57 = arith.constant 0 : i32
        %dma_wait3A_58 = arith.constant 0 : i32
        %dma_wait3A_59 = tpu.memref_slice %arg12[%dma_wait3A_57, %dma_wait3A_58] : memref<10240x128xf32, #tpu.memory_space<vmem_shared>> -> memref<10240x128xf32, #tpu.memory_space<vmem_shared>>
        tpu.wait_indirect_dma semaphore(%run_scoped3A : memref<!tpu.dma_semaphore, #tpu.memory_space<semaphore_mem>>) src(%arg11 : memref<125x128xf32, #tpu.memory_space<vmem>>) dst(%dma_wait3A_59 : memref<10240x128xf32, #tpu.memory_space<vmem_shared>>)
        tpu.yield
      }) : () -> ()
    }
    %scan3A_9 = arith.constant 20 : i32
    %barrier3A_10 = arith.constant 0 : index
    tpu.barrier barrier_id(%barrier3A_10)
    %mul3A_11 = arith.constant 640 : i32
    %mul3A_12 = arith.muli %arg1, %mul3A_11 : i32
    %mul3A_13 = arith.constant 640 : i32
    %mul3A_14 = arith.muli %arg1, %mul3A_13 : i32
    "tpu.region"() ({
      %run_scoped3A = tpu.sem_alloc : memref<!tpu.dma_semaphore, #tpu.memory_space<semaphore_mem>>
      %dma_start3A = arith.constant 0 : i32
      %dma_start3A_15 = tpu.memref_slice %arg6[%arg0, %mul3A_14, %dma_start3A] : memref<2x10240x128xf32, #tpu.memory_space<hbm>> -> memref<1x640x128xf32, #tpu.memory_space<hbm>>
      %dma_start3A_16 = tpu.memref_squeeze %dma_start3A_15 : memref<1x640x128xf32, #tpu.memory_space<hbm>> -> memref<640x128xf32, #tpu.memory_space<hbm>>
      %dma_start3A_17 = arith.constant 0 : i32
      %dma_start3A_18 = tpu.memref_slice %arg12[%mul3A_12, %dma_start3A_17] : memref<10240x128xf32, #tpu.memory_space<vmem_shared>> -> memref<640x128xf32, #tpu.memory_space<vmem_shared>>
      tpu.enqueue_dma source(%dma_start3A_18 : memref<640x128xf32, #tpu.memory_space<vmem_shared>>) target(%dma_start3A_16 : memref<640x128xf32, #tpu.memory_space<hbm>>) target_semaphore(%run_scoped3A : memref<!tpu.dma_semaphore, #tpu.memory_space<semaphore_mem>>)
      %dma_wait3A = arith.constant 0 : i32
      %dma_wait3A_19 = tpu.memref_slice %arg6[%arg0, %mul3A_14, %dma_wait3A] : memref<2x10240x128xf32, #tpu.memory_space<hbm>> -> memref<1x640x128xf32, #tpu.memory_space<hbm>>
      %dma_wait3A_20 = tpu.memref_squeeze %dma_wait3A_19 : memref<1x640x128xf32, #tpu.memory_space<hbm>> -> memref<640x128xf32, #tpu.memory_space<hbm>>
      %dma_wait3A_21 = arith.constant 0 : i32
      %dma_wait3A_22 = tpu.memref_slice %arg12[%mul3A_12, %dma_wait3A_21] : memref<10240x128xf32, #tpu.memory_space<vmem_shared>> -> memref<640x128xf32, #tpu.memory_space<vmem_shared>>
      tpu.wait_dma2 semaphore(%run_scoped3A : memref<!tpu.dma_semaphore, #tpu.memory_space<semaphore_mem>>) src(%dma_wait3A_22 : memref<640x128xf32, #tpu.memory_space<vmem_shared>>) dst(%dma_wait3A_20 : memref<640x128xf32, #tpu.memory_space<hbm>>)
      tpu.yield
    }) : () -> ()
    return
  }
}

module attributes {stable_mosaic.version = 14 : i64} {
  func.func @_k0_body(%arg0: i32, %arg1: memref<1000x256xf32, #tpu.memory_space<vmem>>, %arg2: memref<256x64xf32, #tpu.memory_space<vmem>>, %arg3: memref<1000x64xf32, #tpu.memory_space<vmem>>) attributes {dimension_semantics = [#tpu.dimension_semantics<arbitrary>], iteration_bounds = array<i64: 10>, scalar_prefetch = 0 : i64, scratch_operands = 0 : i64, tpu.core_type = #tpu.core_type<tc>, window_params = [{transform_indices = @transform_0, window_bounds = array<i64: 1000, 256>}, {pipeline_mode = #tpu.pipeline_mode<synchronous>, transform_indices = @transform_1, window_bounds = array<i64: 256, 64>}, {transform_indices = @transform_2, window_bounds = array<i64: 1000, 64>}]} {
    %get3A = arith.constant 0 : index
    %get3A_0 = arith.constant 0 : index
    %get3A_1 = vector.load %arg1[%get3A, %get3A_0] : memref<1000x256xf32, #tpu.memory_space<vmem>>, vector<1000x256xf32>
    %get3A_2 = arith.constant 0 : index
    %get3A_3 = arith.constant 0 : index
    %get3A_4 = vector.load %arg2[%get3A_2, %get3A_3] : memref<256x64xf32, #tpu.memory_space<vmem>>, vector<256x64xf32>
    %dot_general3A = arith.constant dense<0.000000e+00> : vector<1000x64xf32>
    %dot_general3A_5 = tpu.matmul %get3A_1, %get3A_4, %dot_general3A {dimension_numbers = #tpu.dot_dimension_numbers<[1], [0], [0], [1], [0, 0, 1, 1], [], []>, transpose_lhs_hint = false} : vector<1000x256xf32>, vector<256x64xf32>, vector<1000x64xf32> -> vector<1000x64xf32>
    %swap3A = arith.constant 0 : index
    %swap3A_6 = arith.constant 0 : index
    %swap3A_7 = vector.load %arg3[%swap3A, %swap3A_6] : memref<1000x64xf32, #tpu.memory_space<vmem>>, vector<1000x64xf32>
    tpu.vector_store %arg3[%swap3A, %swap3A_6], %dot_general3A_5 {strides = array<i32>} : memref<1000x64xf32, #tpu.memory_space<vmem>>, vector<1000x64xf32>,
    return
  }
  func.func @transform_0(%arg0: i32) -> (i32, i32) {
    %c0_i32 = arith.constant 0 : i32
    %c0_i32_0 = arith.constant 0 : i32
    return %arg0, %c0_i32 : i32, i32
  }
  func.func @transform_1(%arg0: i32) -> (i32, i32) {
    %c0_i32 = arith.constant 0 : i32
    %c0_i32_0 = arith.constant 0 : i32
    %c0_i32_1 = arith.constant 0 : i32
    return %c0_i32, %c0_i32_0 : i32, i32
  }
  func.func @transform_2(%arg0: i32) -> (i32, i32) {
    %c0_i32 = arith.constant 0 : i32
    %c0_i32_0 = arith.constant 0 : i32
    return %arg0, %c0_i32 : i32, i32
  }
}

module attributes {stable_mosaic.version = 14 : i64} {
  func.func @_k1_body(%arg0: i32, %arg1: memref<1000x64xf32, #tpu.memory_space<vmem>>, %arg2: memref<2x1000x8xf32, #tpu.memory_space<vmem>>, %arg3: memref<1000x128xf32, #tpu.memory_space<vmem>>) attributes {dimension_semantics = [#tpu.dimension_semantics<arbitrary>], iteration_bounds = array<i64: 10>, scalar_prefetch = 0 : i64, scratch_operands = 0 : i64, tpu.core_type = #tpu.core_type<tc>, window_params = [{transform_indices = @transform_0, window_bounds = array<i64: 1000, 64>}, {transform_indices = @transform_1, window_bounds = array<i64: 2, 1000, 8>}, {transform_indices = @transform_2, window_bounds = array<i64: 1000, 128>}]} {
    %get3A = arith.constant 0 : index
    %get3A_0 = arith.constant 0 : index
    %get3A_1 = vector.load %arg1[%get3A, %get3A_0] : memref<1000x64xf32, #tpu.memory_space<vmem>>, vector<1000x64xf32>
    %get3A_2 = arith.constant 0 : index
    %get3A_3 = arith.constant 0 : index
    %get3A_4 = arith.constant 0 : index
    %get3A_5 = vector.load %arg2[%get3A_2, %get3A_3, %get3A_4] : memref<2x1000x8xf32, #tpu.memory_space<vmem>>, vector<1x1000x8xf32>
    %get3A_6 = vector.shape_cast %get3A_5 : vector<1x1000x8xf32> to vector<1000x8xf32>
    %get3A_7 = arith.constant 1 : index
    %get3A_8 = arith.constant 0 : index
    %get3A_9 = arith.constant 0 : index
    %get3A_10 = vector.load %arg2[%get3A_7, %get3A_8, %get3A_9] : memref<2x1000x8xf32, #tpu.memory_space<vmem>>, vector<1x1000x8xf32>
    %get3A_11 = vector.shape_cast %get3A_10 : vector<1x1000x8xf32> to vector<1000x8xf32>
    %add3A = arith.addf %get3A_6, %get3A_11 : vector<1000x8xf32>
    %add3A_12 = arith.constant 1.000000e+00 : f32
    %add3A_13 = vector.broadcast %add3A_12 : f32 to vector<1000x8xf32>
    %add3A_14 = arith.addf %add3A, %add3A_13 : vector<1000x8xf32>
    %slice3A = vector.extract_strided_slice %add3A_14 {offsets = [0, 0], sizes = [1000, 1], strides = [1, 1]} : vector<1000x8xf32> to vector<1000x1xf32>
    %rsqrt3A = math.rsqrt %slice3A : vector<1000x1xf32>
    %mul3A = vector.broadcast %rsqrt3A : vector<1000x1xf32> to vector<1000x64xf32>
    %mul3A_15 = arith.mulf %get3A_1, %mul3A : vector<1000x64xf32>
    %broadcast_in_dim3A = arith.constant 0.000000e+00 : f32
    %broadcast_in_dim3A_16 = vector.broadcast %broadcast_in_dim3A : f32 to vector<1000x64xf32>
    %concatenate3A = tpu.concatenate %mul3A_15, %broadcast_in_dim3A_16 in 1 : vector<1000x64xf32>, vector<1000x64xf32> -> vector<1000x128xf32>
    %swap3A = arith.constant 0 : index
    %swap3A_17 = arith.constant 0 : index
    %swap3A_18 = vector.load %arg3[%swap3A, %swap3A_17] : memref<1000x128xf32, #tpu.memory_space<vmem>>, vector<1000x128xf32>
    tpu.vector_store %arg3[%swap3A, %swap3A_17], %concatenate3A {strides = array<i32>} : memref<1000x128xf32, #tpu.memory_space<vmem>>, vector<1000x128xf32>,
    return
  }
  func.func @transform_0(%arg0: i32) -> (i32, i32) {
    %c0_i32 = arith.constant 0 : i32
    %c0_i32_0 = arith.constant 0 : i32
    return %arg0, %c0_i32 : i32, i32
  }
  func.func @transform_1(%arg0: i32) -> (i32, i32, i32) {
    %c0_i32 = arith.constant 0 : i32
    %c0_i32_0 = arith.constant 0 : i32
    %c0_i32_1 = arith.constant 0 : i32
    return %c0_i32, %arg0, %c0_i32_0 : i32, i32, i32
  }
  func.func @transform_2(%arg0: i32) -> (i32, i32) {
    %c0_i32 = arith.constant 0 : i32
    %c0_i32_0 = arith.constant 0 : i32
    return %arg0, %c0_i32 : i32, i32
  }
}

module attributes {stable_mosaic.version = 14 : i64} {
  func.func @_k2_body(%arg0: i32, %arg1: memref<2x1000x128xf32, #tpu.memory_space<vmem>>, %arg2: memref<1000x128xf32, #tpu.memory_space<vmem>>, %arg3: memref<2x1000x8xf32, #tpu.memory_space<vmem>>, %arg4: memref<1x64xf32, #tpu.memory_space<vmem>>, %arg5: memref<1000x128xf32, #tpu.memory_space<vmem>>) attributes {dimension_semantics = [#tpu.dimension_semantics<arbitrary>], iteration_bounds = array<i64: 10>, scalar_prefetch = 0 : i64, scratch_operands = 0 : i64, tpu.core_type = #tpu.core_type<tc>, window_params = [{transform_indices = @transform_0, window_bounds = array<i64: 2, 1000, 128>}, {transform_indices = @transform_1, window_bounds = array<i64: 1000, 128>}, {transform_indices = @transform_2, window_bounds = array<i64: 2, 1000, 8>}, {pipeline_mode = #tpu.pipeline_mode<synchronous>, transform_indices = @transform_3, window_bounds = array<i64: 1, 64>}, {transform_indices = @transform_4, window_bounds = array<i64: 1000, 128>}]} {
    %get3A = arith.constant 0 : index
    %get3A_0 = arith.constant 0 : index
    %get3A_1 = arith.constant 0 : index
    %get3A_2 = vector.load %arg3[%get3A, %get3A_0, %get3A_1] : memref<2x1000x8xf32, #tpu.memory_space<vmem>>, vector<1x1000x8xf32>
    %get3A_3 = vector.shape_cast %get3A_2 : vector<1x1000x8xf32> to vector<1000x8xf32>
    %get3A_4 = arith.constant 1 : index
    %get3A_5 = arith.constant 0 : index
    %get3A_6 = arith.constant 0 : index
    %get3A_7 = vector.load %arg3[%get3A_4, %get3A_5, %get3A_6] : memref<2x1000x8xf32, #tpu.memory_space<vmem>>, vector<1x1000x8xf32>
    %get3A_8 = vector.shape_cast %get3A_7 : vector<1x1000x8xf32> to vector<1000x8xf32>
    %add3A = arith.addf %get3A_3, %get3A_8 : vector<1000x8xf32>
    %add3A_9 = arith.constant 1.000000e+00 : f32
    %add3A_10 = vector.broadcast %add3A_9 : f32 to vector<1000x8xf32>
    %add3A_11 = arith.addf %add3A, %add3A_10 : vector<1000x8xf32>
    %slice3A = vector.extract_strided_slice %add3A_11 {offsets = [0, 0], sizes = [1000, 1], strides = [1, 1]} : vector<1000x8xf32> to vector<1000x1xf32>
    %rsqrt3A = math.rsqrt %slice3A : vector<1000x1xf32>
    %get3A_12 = arith.constant 0 : index
    %get3A_13 = arith.constant 0 : index
    %get3A_14 = arith.constant 0 : index
    %get3A_15 = vector.load %arg1[%get3A_12, %get3A_13, %get3A_14] : memref<2x1000x128xf32, #tpu.memory_space<vmem>>, vector<1x1000x128xf32>
    %get3A_16 = vector.shape_cast %get3A_15 : vector<1x1000x128xf32> to vector<1000x128xf32>
    %get3A_17 = arith.constant 1 : index
    %get3A_18 = arith.constant 0 : index
    %get3A_19 = arith.constant 0 : index
    %get3A_20 = vector.load %arg1[%get3A_17, %get3A_18, %get3A_19] : memref<2x1000x128xf32, #tpu.memory_space<vmem>>, vector<1x1000x128xf32>
    %get3A_21 = vector.shape_cast %get3A_20 : vector<1x1000x128xf32> to vector<1000x128xf32>
    %add3A_22 = arith.addf %get3A_16, %get3A_21 : vector<1000x128xf32>
    %get3A_23 = arith.constant 0 : index
    %get3A_24 = arith.constant 0 : index
    %get3A_25 = vector.load %arg2[%get3A_23, %get3A_24] : memref<1000x128xf32, #tpu.memory_space<vmem>>, vector<1000x128xf32>
    %add3A_26 = arith.addf %add3A_22, %get3A_25 : vector<1000x128xf32>
    %slice3A_27 = vector.extract_strided_slice %add3A_26 {offsets = [0, 0], sizes = [1000, 64], strides = [1, 1]} : vector<1000x128xf32> to vector<1000x64xf32>
    %mul3A = vector.broadcast %rsqrt3A : vector<1000x1xf32> to vector<1000x64xf32>
    %mul3A_28 = arith.mulf %mul3A, %slice3A_27 : vector<1000x64xf32>
    %get3A_29 = arith.constant 0 : index
    %get3A_30 = arith.constant 0 : index
    %get3A_31 = vector.load %arg4[%get3A_29, %get3A_30] : memref<1x64xf32, #tpu.memory_space<vmem>>, vector<1x64xf32>
    %add3A_32 = vector.broadcast %get3A_31 : vector<1x64xf32> to vector<1000x64xf32>
    %add3A_33 = arith.addf %mul3A_28, %add3A_32 : vector<1000x64xf32>
    %ge3A = arith.constant 0.000000e+00 : f32
    %ge3A_34 = vector.broadcast %ge3A : f32 to vector<1000x64xf32>
    %ge3A_35 = arith.cmpf oge, %add3A_33, %ge3A_34 : vector<1000x64xf32>
    %mul3A_36 = arith.constant 0.00999999977 : f32
    %mul3A_37 = vector.broadcast %mul3A_36 : f32 to vector<1000x64xf32>
    %mul3A_38 = arith.mulf %mul3A_37, %add3A_33 : vector<1000x64xf32>
    %select_n3A = arith.select %ge3A_35, %add3A_33, %mul3A_38 : vector<1000x64xi1>, vector<1000x64xf32>
    %mul3A_39 = vector.broadcast %rsqrt3A : vector<1000x1xf32> to vector<1000x64xf32>
    %mul3A_40 = arith.mulf %mul3A_39, %select_n3A : vector<1000x64xf32>
    %broadcast_in_dim3A = arith.constant 0.000000e+00 : f32
    %broadcast_in_dim3A_41 = vector.broadcast %broadcast_in_dim3A : f32 to vector<1000x64xf32>
    %concatenate3A = tpu.concatenate %mul3A_40, %broadcast_in_dim3A_41 in 1 : vector<1000x64xf32>, vector<1000x64xf32> -> vector<1000x128xf32>
    %swap3A = arith.constant 0 : index
    %swap3A_42 = arith.constant 0 : index
    %swap3A_43 = vector.load %arg5[%swap3A, %swap3A_42] : memref<1000x128xf32, #tpu.memory_space<vmem>>, vector<1000x128xf32>
    tpu.vector_store %arg5[%swap3A, %swap3A_42], %concatenate3A {strides = array<i32>} : memref<1000x128xf32, #tpu.memory_space<vmem>>, vector<1000x128xf32>,
    return
  }
  func.func @transform_0(%arg0: i32) -> (i32, i32, i32) {
    %c0_i32 = arith.constant 0 : i32
    %c0_i32_0 = arith.constant 0 : i32
    %c0_i32_1 = arith.constant 0 : i32
    return %c0_i32, %arg0, %c0_i32_0 : i32, i32, i32
  }
  func.func @transform_1(%arg0: i32) -> (i32, i32) {
    %c0_i32 = arith.constant 0 : i32
    %c0_i32_0 = arith.constant 0 : i32
    return %arg0, %c0_i32 : i32, i32
  }
  func.func @transform_2(%arg0: i32) -> (i32, i32, i32) {
    %c0_i32 = arith.constant 0 : i32
    %c0_i32_0 = arith.constant 0 : i32
    %c0_i32_1 = arith.constant 0 : i32
    return %c0_i32, %arg0, %c0_i32_0 : i32, i32, i32
  }
  func.func @transform_3(%arg0: i32) -> (i32, i32) {
    %c0_i32 = arith.constant 0 : i32
    %c0_i32_0 = arith.constant 0 : i32
    %c0_i32_1 = arith.constant 0 : i32
    return %c0_i32, %c0_i32_0 : i32, i32
  }
  func.func @transform_4(%arg0: i32) -> (i32, i32) {
    %c0_i32 = arith.constant 0 : i32
    %c0_i32_0 = arith.constant 0 : i32
    return %arg0, %c0_i32 : i32, i32
  }
}

module attributes {stable_mosaic.version = 14 : i64} {
  func.func @_k3_body(%arg0: i32, %arg1: memref<2x1000x128xf32, #tpu.memory_space<vmem>>, %arg2: memref<1000x128xf32, #tpu.memory_space<vmem>>, %arg3: memref<2x1000x8xf32, #tpu.memory_space<vmem>>, %arg4: memref<64x512xf32, #tpu.memory_space<vmem>>, %arg5: memref<1x512xf32, #tpu.memory_space<vmem>>, %arg6: memref<40x512xf32, #tpu.memory_space<vmem>>, %arg7: memref<1x40xf32, #tpu.memory_space<vmem>>, %arg8: memref<1000x512xf32, #tpu.memory_space<vmem>>, %arg9: memref<1000x40xf32, #tpu.memory_space<vmem>>) attributes {dimension_semantics = [#tpu.dimension_semantics<arbitrary>], iteration_bounds = array<i64: 10>, scalar_prefetch = 0 : i64, scratch_operands = 0 : i64, tpu.core_type = #tpu.core_type<tc>, window_params = [{transform_indices = @transform_0, window_bounds = array<i64: 2, 1000, 128>}, {transform_indices = @transform_1, window_bounds = array<i64: 1000, 128>}, {transform_indices = @transform_2, window_bounds = array<i64: 2, 1000, 8>}, {pipeline_mode = #tpu.pipeline_mode<synchronous>, transform_indices = @transform_3, window_bounds = array<i64: 64, 512>}, {pipeline_mode = #tpu.pipeline_mode<synchronous>, transform_indices = @transform_4, window_bounds = array<i64: 1, 512>}, {pipeline_mode = #tpu.pipeline_mode<synchronous>, transform_indices = @transform_5, window_bounds = array<i64: 40, 512>}, {pipeline_mode = #tpu.pipeline_mode<synchronous>, transform_indices = @transform_6, window_bounds = array<i64: 1, 40>}, {transform_indices = @transform_7, window_bounds = array<i64: 1000, 512>}, {transform_indices = @transform_8, window_bounds = array<i64: 1000, 40>}]} {
    %get3A = arith.constant 0 : index
    %get3A_0 = arith.constant 0 : index
    %get3A_1 = arith.constant 0 : index
    %get3A_2 = vector.load %arg3[%get3A, %get3A_0, %get3A_1] : memref<2x1000x8xf32, #tpu.memory_space<vmem>>, vector<1x1000x8xf32>
    %get3A_3 = vector.shape_cast %get3A_2 : vector<1x1000x8xf32> to vector<1000x8xf32>
    %get3A_4 = arith.constant 1 : index
    %get3A_5 = arith.constant 0 : index
    %get3A_6 = arith.constant 0 : index
    %get3A_7 = vector.load %arg3[%get3A_4, %get3A_5, %get3A_6] : memref<2x1000x8xf32, #tpu.memory_space<vmem>>, vector<1x1000x8xf32>
    %get3A_8 = vector.shape_cast %get3A_7 : vector<1x1000x8xf32> to vector<1000x8xf32>
    %add3A = arith.addf %get3A_3, %get3A_8 : vector<1000x8xf32>
    %add3A_9 = arith.constant 1.000000e+00 : f32
    %add3A_10 = vector.broadcast %add3A_9 : f32 to vector<1000x8xf32>
    %add3A_11 = arith.addf %add3A, %add3A_10 : vector<1000x8xf32>
    %slice3A = vector.extract_strided_slice %add3A_11 {offsets = [0, 0], sizes = [1000, 1], strides = [1, 1]} : vector<1000x8xf32> to vector<1000x1xf32>
    %rsqrt3A = math.rsqrt %slice3A : vector<1000x1xf32>
    %get3A_12 = arith.constant 0 : index
    %get3A_13 = arith.constant 0 : index
    %get3A_14 = arith.constant 0 : index
    %get3A_15 = vector.load %arg1[%get3A_12, %get3A_13, %get3A_14] : memref<2x1000x128xf32, #tpu.memory_space<vmem>>, vector<1x1000x128xf32>
    %get3A_16 = vector.shape_cast %get3A_15 : vector<1x1000x128xf32> to vector<1000x128xf32>
    %get3A_17 = arith.constant 1 : index
    %get3A_18 = arith.constant 0 : index
    %get3A_19 = arith.constant 0 : index
    %get3A_20 = vector.load %arg1[%get3A_17, %get3A_18, %get3A_19] : memref<2x1000x128xf32, #tpu.memory_space<vmem>>, vector<1x1000x128xf32>
    %get3A_21 = vector.shape_cast %get3A_20 : vector<1x1000x128xf32> to vector<1000x128xf32>
    %add3A_22 = arith.addf %get3A_16, %get3A_21 : vector<1000x128xf32>
    %get3A_23 = arith.constant 0 : index
    %get3A_24 = arith.constant 0 : index
    %get3A_25 = vector.load %arg2[%get3A_23, %get3A_24] : memref<1000x128xf32, #tpu.memory_space<vmem>>, vector<1000x128xf32>
    %add3A_26 = arith.addf %add3A_22, %get3A_25 : vector<1000x128xf32>
    %slice3A_27 = vector.extract_strided_slice %add3A_26 {offsets = [0, 0], sizes = [1000, 64], strides = [1, 1]} : vector<1000x128xf32> to vector<1000x64xf32>
    %mul3A = vector.broadcast %rsqrt3A : vector<1000x1xf32> to vector<1000x64xf32>
    %mul3A_28 = arith.mulf %mul3A, %slice3A_27 : vector<1000x64xf32>
    %get3A_29 = arith.constant 0 : index
    %get3A_30 = arith.constant 0 : index
    %get3A_31 = vector.load %arg4[%get3A_29, %get3A_30] : memref<64x512xf32, #tpu.memory_space<vmem>>, vector<64x512xf32>
    %dot_general3A = arith.constant dense<0.000000e+00> : vector<1000x512xf32>
    %dot_general3A_32 = tpu.matmul %mul3A_28, %get3A_31, %dot_general3A {dimension_numbers = #tpu.dot_dimension_numbers<[1], [0], [0], [1], [0, 0, 1, 1], [], []>, transpose_lhs_hint = false} : vector<1000x64xf32>, vector<64x512xf32>, vector<1000x512xf32> -> vector<1000x512xf32>
    %get3A_33 = arith.constant 0 : index
    %get3A_34 = arith.constant 0 : index
    %get3A_35 = vector.load %arg5[%get3A_33, %get3A_34] : memref<1x512xf32, #tpu.memory_space<vmem>>, vector<1x512xf32>
    %add3A_36 = vector.broadcast %get3A_35 : vector<1x512xf32> to vector<1000x512xf32>
    %add3A_37 = arith.addf %dot_general3A_32, %add3A_36 : vector<1000x512xf32>
    %ge3A = arith.constant 0.000000e+00 : f32
    %ge3A_38 = vector.broadcast %ge3A : f32 to vector<1000x512xf32>
    %ge3A_39 = arith.cmpf oge, %add3A_37, %ge3A_38 : vector<1000x512xf32>
    %mul3A_40 = arith.constant 0.00999999977 : f32
    %mul3A_41 = vector.broadcast %mul3A_40 : f32 to vector<1000x512xf32>
    %mul3A_42 = arith.mulf %mul3A_41, %add3A_37 : vector<1000x512xf32>
    %select_n3A = arith.select %ge3A_39, %add3A_37, %mul3A_42 : vector<1000x512xi1>, vector<1000x512xf32>
    %swap3A = arith.constant 0 : index
    %swap3A_43 = arith.constant 0 : index
    %swap3A_44 = vector.load %arg8[%swap3A, %swap3A_43] : memref<1000x512xf32, #tpu.memory_space<vmem>>, vector<1000x512xf32>
    tpu.vector_store %arg8[%swap3A, %swap3A_43], %select_n3A {strides = array<i32>} : memref<1000x512xf32, #tpu.memory_space<vmem>>, vector<1000x512xf32>,
    %get3A_45 = arith.constant 0 : index
    %get3A_46 = arith.constant 0 : index
    %get3A_47 = vector.load %arg6[%get3A_45, %get3A_46] : memref<40x512xf32, #tpu.memory_space<vmem>>, vector<40x512xf32>
    %dot_general3A_48 = arith.constant dense<0.000000e+00> : vector<1000x40xf32>
    %dot_general3A_49 = tpu.matmul %select_n3A, %get3A_47, %dot_general3A_48 {dimension_numbers = #tpu.dot_dimension_numbers<[1], [1], [0], [0], [0, 0, 1, 0], [], []>, transpose_lhs_hint = false} : vector<1000x512xf32>, vector<40x512xf32>, vector<1000x40xf32> -> vector<1000x40xf32>
    %get3A_50 = arith.constant 0 : index
    %get3A_51 = arith.constant 0 : index
    %get3A_52 = vector.load %arg7[%get3A_50, %get3A_51] : memref<1x40xf32, #tpu.memory_space<vmem>>, vector<1x40xf32>
    %add3A_53 = vector.broadcast %get3A_52 : vector<1x40xf32> to vector<1000x40xf32>
    %add3A_54 = arith.addf %dot_general3A_49, %add3A_53 : vector<1000x40xf32>
    %reduce_max3A = arith.constant dense<0xFF800000> : vector<1000xf32>
    %reduce_max3A_55 = vector.multi_reduction <maximumf>, %add3A_54, %reduce_max3A [1] : vector<1000x40xf32> to vector<1000xf32>
    %broadcast_in_dim3A = vector.shape_cast %reduce_max3A_55 : vector<1000xf32> to vector<1000x1xf32>
    %sub3A = vector.broadcast %broadcast_in_dim3A : vector<1000x1xf32> to vector<1000x40xf32>
    %sub3A_56 = arith.subf %add3A_54, %sub3A : vector<1000x40xf32>
    %exp3A = math.exp %sub3A_56 : vector<1000x40xf32>
    %reduce_sum3A = arith.constant dense<0.000000e+00> : vector<1000xf32>
    %reduce_sum3A_57 = vector.multi_reduction <add>, %exp3A, %reduce_sum3A [1] : vector<1000x40xf32> to vector<1000xf32>
    %broadcast_in_dim3A_58 = vector.shape_cast %reduce_sum3A_57 : vector<1000xf32> to vector<1000x1xf32>
    %div3A = vector.broadcast %broadcast_in_dim3A_58 : vector<1000x1xf32> to vector<1000x40xf32>
    %div3A_59 = arith.divf %exp3A, %div3A : vector<1000x40xf32>
    %swap3A_60 = arith.constant 0 : index
    %swap3A_61 = arith.constant 0 : index
    %swap3A_62 = vector.load %arg9[%swap3A_60, %swap3A_61] : memref<1000x40xf32, #tpu.memory_space<vmem>>, vector<1000x40xf32>
    tpu.vector_store %arg9[%swap3A_60, %swap3A_61], %div3A_59 {strides = array<i32>} : memref<1000x40xf32, #tpu.memory_space<vmem>>, vector<1000x40xf32>,
    return
  }
  func.func @transform_0(%arg0: i32) -> (i32, i32, i32) {
    %c0_i32 = arith.constant 0 : i32
    %c0_i32_0 = arith.constant 0 : i32
    %c0_i32_1 = arith.constant 0 : i32
    return %c0_i32, %arg0, %c0_i32_0 : i32, i32, i32
  }
  func.func @transform_1(%arg0: i32) -> (i32, i32) {
    %c0_i32 = arith.constant 0 : i32
    %c0_i32_0 = arith.constant 0 : i32
    return %arg0, %c0_i32 : i32, i32
  }
  func.func @transform_2(%arg0: i32) -> (i32, i32, i32) {
    %c0_i32 = arith.constant 0 : i32
    %c0_i32_0 = arith.constant 0 : i32
    %c0_i32_1 = arith.constant 0 : i32
    return %c0_i32, %arg0, %c0_i32_0 : i32, i32, i32
  }
  func.func @transform_3(%arg0: i32) -> (i32, i32) {
    %c0_i32 = arith.constant 0 : i32
    %c0_i32_0 = arith.constant 0 : i32
    %c0_i32_1 = arith.constant 0 : i32
    return %c0_i32, %c0_i32_0 : i32, i32
  }
  func.func @transform_4(%arg0: i32) -> (i32, i32) {
    %c0_i32 = arith.constant 0 : i32
    %c0_i32_0 = arith.constant 0 : i32
    %c0_i32_1 = arith.constant 0 : i32
    return %c0_i32, %c0_i32_0 : i32, i32
  }
  func.func @transform_5(%arg0: i32) -> (i32, i32) {
    %c0_i32 = arith.constant 0 : i32
    %c0_i32_0 = arith.constant 0 : i32
    %c0_i32_1 = arith.constant 0 : i32
    return %c0_i32, %c0_i32_0 : i32, i32
  }
  func.func @transform_6(%arg0: i32) -> (i32, i32) {
    %c0_i32 = arith.constant 0 : i32
    %c0_i32_0 = arith.constant 0 : i32
    %c0_i32_1 = arith.constant 0 : i32
    return %c0_i32, %c0_i32_0 : i32, i32
  }
  func.func @transform_7(%arg0: i32) -> (i32, i32) {
    %c0_i32 = arith.constant 0 : i32
    %c0_i32_0 = arith.constant 0 : i32
    return %arg0, %c0_i32 : i32, i32
  }
  func.func @transform_8(%arg0: i32) -> (i32, i32) {
    %c0_i32 = arith.constant 0 : i32
    %c0_i32_0 = arith.constant 0 : i32
    return %arg0, %c0_i32 : i32, i32
  }
}

</mosaic_0001>

<sc_bundles>
// kernel: kernel.12.cloned.1.call-start
scs
__scs_entry_jumppad:
0x0: {  	(pc) =	sbr.rel $0x88, $3  }
0x1: {  	(tag) =	ssettag $0x0;
	lr =	simm.s32 $0x1  }
0x2: {  	[smem:$0x3F99] =	sst lr;
	_ =	strace $0xD0000000  }
0x3: {  	_ = 	snop  }
0x4: {  	_ = 	snop  }
0x5: {  	_ = 	snop  }
0x6: {  	_ = 	snop  }
0x7: {  	_ = 	snop  }
__scs_overlays_trampoline_lowered:
0x8: {  	[smem:$0x3FA8] =	sst s0  }
0x9: {  	[smem:$0x3FA9] =	sst s1  }
0xa: {  	[smem:$0x3FAA] =	sst s2  }
0xb: {  	[smem:$0x3FAB] =	sst s3  }
0xc: {  	[smem:$0x3FAC] =	sst s4  }
0xd: {  	[smem:$0x3FAD] =	sst s5  }
0xe: {  	[smem:$0x3FAE] =	sst s6  }
0xf: {  	[smem:$0x3FAF] =	sst s7  }
0x10: {  	[smem:$0x3FB0] =	sst s8  }
0x11: {  	[smem:$0x3FB1] =	sst s9;
	s0 =	simm.s32 @!p0 $0x0  }
0x12: {  	s1 =	sld [smem:$0x3F97];
	s0 =	simm.s32 @p0 $0x1  }
0x13: {  	[smem:$0x3FB2] =	sst s0;
	s0 =	simm.s32 @!p1 $0x0  }
0x14: {  	s2 =	sld [smem:$0x3F96];
	s0 =	simm.s32 @p1 $0x1  }
0x15: {  	[smem:$0x3FB3] =	sst s0;
	s0 =	simm.s32 @!p2 $0x0  }
0x16: {  	s3 =	sld [smem:$0x3FDB];
	s0 =	simm.s32 @p2 $0x1  }
0x17: {  	s4 =	simm.s32 $0x1BF5;
	[smem:$0x3FB5] =	sst s0  }
0x18: {  	s0 =	sld [smem:$0x3F98];
	_ =	swait.ge [sflag:s4], $0x0  }
0x19: {  	s7 =	sld [smem:$0x3F99]  }
0x1a: {  	s8 =	sadd.s32 $0xFFFFE003, lr  }
0x1b: {  	s9 =	sadd.s32 $0xFFFFFEF7, lr;
	s5 =	simm.s32 $0xFFFFFFFF;
	p2 =	slt.u32 s8, $0xFFFFF086  }
0x1c: {  	p1 =	slt.u32 s9, $0xF7A;
	s5 =	simm.s32 @!p2 $0x0  }
0x1d: {  	s5 =	simm.s32 @p1 $0x1;
	p0 =	seq.s32 s7, s2  }
0x1e: {  	s7 =	smul.u32 @!p0 $0xF7A, s2;
	p2 =	seq.s32 @!p0 s5, $0x0  }
0x1f: {  	s9 =	smul.u32 $0xF7A, s1;
	s8 =	simm.s32 @!p0 $0x1BF5;
	p2 =	por !p2, p0  }
0x20: {  	[sflag:s8] =	ssyncset.s32 @!p0 $0xFFFFF086;
	s6 =	sadd.s32 @!p0 s3, s7;
	s7 =	simm.s32 @!p0 $0x108  }
0x21: {  	s3 =	sadd.s32 s3, s9;
	s6 =	sadd.s32 @!p0 $0x88, s6;
	s7 =	simm.s32 @p2 $0x1082  }
0x22: {  	[simem:s7], [sflag:s8] =	dma.local @!p0 [hbm:s6], $0xF7A  }
0x23: {  	s9 =	sor.u32 $0xD0000000, s2;
	s6 =	simm.s32 $0x108;
	_ =	swait.ge @!p0 [sflag:s8], $0x0  }
0x24: {  	s3 =	sadd.s32 $0x88, s3;
	s6 =	simm.s32 @!p1 $0x1082;
	[sflag:s4] =	ssyncset.s32 $0xFFFFF086  }
0x25: {  	[simem:s6], [sflag:s4] =	dma.local [hbm:s3], $0xF7A  }
0x26: {  	[smem:$0x3F99] =	sst s1;
	(tag) =	ssettag s2;
	_ =	strace s9  }
0x27: {  	s1 =	sld [smem:$0x3FA9]  }
0x28: {  	s2 =	sld [smem:$0x3FAA]  }
0x29: {  	s4 =	sld [smem:$0x3FAC]  }
0x2a: {  	p0 =	seq.s32 s5, $0x0;
	s5 =	sld [smem:$0x3FAD]  }
0x2b: {  	s6 =	sld [smem:$0x3FAE]  }
0x2c: {  	s7 =	sld [smem:$0x3FAF]  }
0x2d: {  	s3 =	simm.s32 $0x108;
	s8 =	sld [smem:$0x3FB0]  }
0x2e: {  	s3 =	simm.s32 @!p0 $0x1082;
	s9 =	sld [smem:$0x3FB1]  }
0x2f: {  	lr =	sadd.s32 s0, s3;
	s0 =	sld [smem:$0x3FA8]  }
0x30: {  	s3 =	sld [smem:$0x3FAB]  }
0x31: {  	[smem:$0x3FB4] =	sst s10  }
0x32: {  	s10 =	sld [smem:$0x3FB2];
	_ =	sdelay $0x3  }
0x33: {  	p0 =	seq.s32 s10, $0x1;
	s10 =	sld [smem:$0x3FB4];
	_ =	sdelay $0x3  }
0x34: {  	[smem:$0x3FB4] =	sst s10  }
0x35: {  	s10 =	sld [smem:$0x3FB3];
	_ =	sdelay $0x3  }
0x36: {  	p1 =	seq.s32 s10, $0x1;
	s10 =	sld [smem:$0x3FB4];
	_ =	sdelay $0x3  }
0x37: {  	[smem:$0x3FB4] =	sst s10  }
0x38: {  	s10 =	sld [smem:$0x3FB5]  }
0x39: {  	_ = 	snop;
	(pc) =	sbr.ind lr, $3  }
0x3a: {  	_ = 	snop  }
0x3b: {  	_ = 	snop  }
0x3c: {  	p2 =	seq.s32 s10, $0x1;
	s10 =	sld [smem:$0x3FB4]  }
0x3d: {  	_ =	shalt  }
0x3e: {  	_ =	shalt  }
0x3f: {  	_ =	shalt  }
0x40: {  	_ =	shalt  }
0x41: {  	_ =	shalt  }
0x42: {  	_ =	shalt  }
0x43: {  	_ =	shalt  }
0x44: {  	_ =	shalt  }
0x45: {  	_ =	shalt  }
0x46: {  	_ =	shalt  }
0x47: {  	_ =	shalt  }
0x48: {  	_ =	shalt  }
0x49: {  	_ =	shalt  }
0x4a: {  	_ =	shalt  }
0x4b: {  	_ =	shalt  }
0x4c: {  	_ =	shalt  }
0x4d: {  	_ =	shalt  }
0x4e: {  	_ =	shalt  }
0x4f: {  	_ =	shalt  }
0x50: {  	_ =	shalt  }
0x51: {  	_ =	shalt  }
0x52: {  	_ =	shalt  }
0x53: {  	_ =	shalt  }
0x54: {  	_ =	shalt  }
0x55: {  	_ =	shalt  }
0x56: {  	_ =	shalt  }
0x57: {  	_ =	shalt  }
0x58: {  	_ =	shalt  }
0x59: {  	_ =	shalt  }
0x5a: {  	_ =	shalt  }
0x5b: {  	_ =	shalt  }
0x5c: {  	_ =	shalt  }
0x5d: {  	_ =	shalt  }
0x5e: {  	_ =	shalt  }
0x5f: {  	_ =	shalt  }
0x60: {  	_ =	shalt  }
0x61: {  	_ =	shalt  }
0x62: {  	_ =	shalt  }
0x63: {  	_ =	shalt  }
0x64: {  	_ =	shalt  }
0x65: {  	_ =	shalt  }
0x66: {  	_ =	shalt  }
0x67: {  	_ =	shalt  }
0x68: {  	_ =	shalt  }
0x69: {  	_ =	shalt  }
0x6a: {  	_ =	shalt  }
0x6b: {  	_ =	shalt  }
0x6c: {  	_ =	shalt  }
0x6d: {  	_ =	shalt  }
0x6e: {  	_ =	shalt  }
0x6f: {  	_ =	shalt  }
0x70: {  	_ =	shalt  }
0x71: {  	_ =	shalt  }
0x72: {  	_ =	shalt  }
0x73: {  	_ =	shalt  }
0x74: {  	_ =	shalt  }
0x75: {  	_ =	shalt  }
0x76: {  	_ =	shalt  }
0x77: {  	_ =	shalt  }
0x78: {  	_ =	shalt  }
0x79: {  	_ =	shalt  }
0x7a: {  	_ =	shalt  }
0x7b: {  	_ =	shalt  }
0x7c: {  	_ =	shalt  }
0x7d: {  	_ =	shalt  }
0x7e: {  	_ =	shalt  }
0x7f: {  	_ =	shalt  }
0x80: {  	_ =	shalt  }
0x81: {  	_ =	shalt  }
0x82: {  	_ =	shalt  }
0x83: {  	_ =	shalt  }
0x84: {  	_ =	shalt  }
0x85: {  	_ =	shalt  }
0x86: {  	_ =	shalt  }
0x87: {  	_ =	shalt  }
.Lfunc_end0:
.L_simem_size_0:
called_computation.1_lowered:
.L_overlay_start_0:
0x88: {  	s2 =	sld [smem:$0x3FD9]  }
0x89: {  	s3 =	sld [smem:$0x3FFE];
	_ =	sdelay $0x1  }
0x8a: {  	s1 =	srdreg.scid  }
0x8b: {  	s0 =	sand.u32 $0x1, s1  }
0x8c: {  	s14 =	sshll.u32 s0, $0xA;
	s2 =	sadd.s32 s3, s2  }
0x8d: {  	s2 =	sadd.s32 s2, s14  }
0x8e: {  	[smem:$0x3FC0] =	sst s2  }
0x8f: {  	_ = 	snop  }
0x90: {  	s2 =	sld [smem:$0x3FD0];
	_ =	sdelay $0x2  }
0x91: {  	s15 =	simm.s32 $0xA;
	s4 =	simm.s32 $0x10  }
0x92: {  	[smem:s4], [sflag:s15] =	dma.local [hbm:s2], $0x1  }
0x93: {  	_ =	swait.eq [sflag:s15], $0x1  }
0x94: {  	[sflag:s15] =	ssyncset.done $0x0  }
0x95: {  	s16 =	sld [smem:$0x10];
	[sflag:s15] =	ssyncadd.s32 $0xFFFFFFFF  }
0x96: {  	s17 =	sld [smem:$0x11];
	(tm) =	ssettm $0x1  }
0x97: {  	s18 =	sld [smem:$0x3FFB];
	_ =	sdelay $0x3  }
0x98: {  	_ =	strace s18  }
0x99: {  	s4 =	sld [smem:$0x3FFC];
	_ =	sdelay $0x3  }
0x9a: {  	_ =	strace s4  }
0x9b: {  	s4 =	sld [smem:$0x3FFD];
	_ =	sdelay $0x3  }
0x9c: {  	_ =	strace s4  }
0x9d: {  	_ =	strace $0x8FFFFFFF  }
0x9e: {  	s19 =	sld [smem:$0x3FDB];
	_ =	sdelay $0x1  }
0x9f: {  	s5 =	simm.s32 $_scs_section_size  }
0xa0: {  	s6 =	simm.s32 $_size__tile_overlayer_lowered;
	s7 =	simm.s32 $_tile_overlayer_lowered  }
0xa1: {  	s22 =	simm.s32 $0x1BFF;
	s21 =	sshll.u32 s7, $0x1;
	s4 =	sadd.s32 s5, s19  }
0xa2: {  	s8 =	simm.s32 $0x0;
	s20 =	sshll.u32 s6, $0x1;
	s6 =	sadd.s32 s21, s4  }
0xa3: {  	[timem:s8], [sflag:s22] =	dma.local [hbm:s6], s20  }
0xa4: {  	_ =	swait.ge [sflag:s22], s20  }
0xa5: {  	s5 =	ssub.s32 $0x0, s20;
	[sflag:s22] =	ssyncset.done $0x0  }
0xa6: {  	[sflag:s22] =	ssyncadd.s32 s5;
	_ =	sdelay $0x1  }
0xa7: {  	s23 =	simm.s32 $0x1B8B  }
0xa8: {  	_ =	swait.ge [sflag:s23], $0x1  }
0xa9: {  	[sflag:s23] =	ssyncset.done $0x0  }
0xaa: {  	s25 =	simm.s32 $0x1B8E;
	s24 =	sld [smem:$0x3FFE];
	[sflag:s23] =	ssyncadd.s32 $0xFFFFFFFF  }
0xab: {  	s26 =	simm.s32 $execute0_lowered;
	[smem:$0x3FD2] =	sst s25  }
0xac: {  	s6 =	sshll.u32 s26, $0x1;
	_ =	strace $0x80000049;
	[dreg:$0x1] =	wrdreg $0xFFFFFFFF  }
0xad: {  	s28 =	simm.s32 $_size_execute0_lowered;
	s4 =	sadd.s32 s4, s6;
	[dreg:$0x0] =	wrdreg $0x0  }
0xae: {  	s6 =	sshll.u32 s28, $0x1;
	[dreg:$0x2] =	wrdreg s4  }
0xaf: {  	[dreg:$0x3] =	wrdreg s6  }
0xb0: {  	[dreg:$0x4] =	wrdreg $0xC0  }
0xb1: {  	_ =	task [dreg:s8], $0x5FFFF  }
0xb2: {  	[dreg:$0x1] =	wrdreg $0xFFFFFFFF  }
0xb3: {  	[dreg:$0x0] =	wrdreg $0x60  }
0xb4: {  	[dreg:$0x2] =	wrdreg s24  }
0xb5: {  	[dreg:$0x3] =	wrdreg s17  }
0xb6: {  	[dreg:$0x4] =	wrdreg s16  }
0xb7: {  	[dreg:$0x5] =	wrdreg $0x81800  }
0xb8: {  	[dreg:$0x6] =	wrdreg $0x9  }
0xb9: {  	_ =	task.clear_ibuf [dreg:s8], $0x7FFFF;
	_ =	strace $0x90000049  }
0xba: {  	s29 =	simm.s32 $0x9;
	_ =	strace $0x8000004B  }
0xbb: {  	_ =	swait.ge [sflag:s29], $0x1  }
0xbc: {  	[sflag:s29] =	ssyncadd.s32 $0xFFFFFFFF  }
0xbd: {  	_ =	strace $0x9000004B  }
0xbe: {  	_ =	sfence  }
0xbf: {  	s30 =	sld [smem:$0x0];
	_ =	sdelay $0x2  }
0xc0: {  	s31 =	sshll.u32 s1, $0xD;
	s1 =	sshrl.u32 s1, $0x2  }
0xc1: {  	s3 =	sand.u32 $0x4000, s31;
	s1 =	sadd.s32 s1, s30  }
0xc2: {  	s0 =	sor.u32 s3, s0;
	s1 =	sshll.u32 s1, $0x11  }
0xc3: {  	s0 =	sor.u32 s1, s0  }
0xc4: {  	s0 =	sadd.s32 $0x8F2B, s0  }
0xc5: {  	[sflag:s0] =	ssyncadd.remote.s32 $0x1  }
0xc6: {  	_ =	sfence.sel $0xFFFF  }
0xc7: {  	[dreg:$0x0] =	wrdreg $0xFFFFFFFF;
	(pc) =	sbr.abs _section_cstart, $3  }
0xc8: {  	[dreg:$0x1] =	wrdreg $0xFFFFFFFF  }
0xc9: {  	_ =	task.clear_ibuf [dreg:s8], $0x2FFFF;
	_ =	strace $0x9FFFFFFF  }
0xca: {  	(tm) =	ssettm $0x7FFFFFFF  }
0xcb: {  	_ =	shalt  }
tec
execute0_lowered:
.L_overlay_start_1:
0x0: {  	(tag) =	ssettag $0x1  }
0x1: {  	s7 =	rddreg [dreg:$0x0]  }
0x2: {  	s1 =	rddreg [dreg:$0x1]  }
0x3: {  	s9 =	rddreg [dreg:$0x2]  }
0x4: {  	s2 =	rddreg [dreg:$0x3]  }
0x5: {  	s0 =	rddreg [dreg:$0x4];
	s4 =	simm.s32 $0x0;
	s3 =	stileid.u32  }
0x6: {  	s6 =	srdreg.scid;
	s17 =	simm.s32 $0x4180;
	s18 =	simm.s32 $0x1  }
0x7: {  	s19 =	simm.s32 $0x2;
	s20 =	simm.s32 $0x100;
	s8 =	smul.u32 $0x14000, s3  }
0x8: {  	s21 =	simm.s32 $0x0;
	[smem:$0x7FF] =	sst s4;
	s12 =	smul.u32 $0x50000, s3  }
0x9: {  	s5 =	sadd.s32 $0x58400, s7;
	s10 =	sand.u32 $0x1, s6;
	s30 =	smul.u32 $0x500, s3  }
0xa: {  	s6 =	sadd.s32 $0x53400, s7;
	s31 =	sshll.u32 s3, $0x6;
	s15 =	smul.u32 $0x140000, s10  }
0xb: {  	_ =	strace $0x8000004A;
	s11 =	ssub.s32 $0x2, s10;
	s16 =	smul.u32 $0x280, s10  }
0xc: {  	s13 =	sshrl.u32 s8, $0x3;
	s14 =	sshrl.u32 s11, $0x1;
	s12 =	sshrl.u32 s12, $0x2  }
0xd: {  	s7 =	sadd.s32 s13, s7;
	s11 =	ssub.s32 s11, s14;
	s12 =	sadd.s32 s12, s2  }
0xe: {  	s8 =	sadd.s32 s8, s15;
	s13 =	simm.s32 $0x3;
	s14 =	simm.s32 $0x7D  }
0xf: {  	s15 =	sshrl.u32 s8, $0x3;
	s7 =	sadd.s32 $0x7F600, s7;
	s8 =	sor.u32 $0x1C03, s31  }
0x10: {  	s10 =	smax.u32 s11, $0x1;
	s11 =	sadd.s32 s16, s30;
	s12 =	sshrl.u32 s12, $0x3  }
0x11: {  	s16 =	simm.s32 $0x80;
	s9 =	sadd.s32 s9, s15;
	s15 =	simm.s32 $0x180  }
.LBB2_1:
0x12: {  	[spmem:s12], [sflag:s8] =	dma.local [hbm:s7], $0x2800  }
0x13: {  	s22 =	sadd.s32 $0x0, s11;
	_ =	swait.ge [sflag:s13], $0x2800  }
0x14: {  	s23 =	sand.u32 $0x60, s4;
	s22 =	sand.u32 $0xFFFFF80, s22;
	[sflag:s13] =	ssyncset.done $0x0  }
0x15: {  	s22 =	sor.u32 s23, s22;
	[sflag:s13] =	ssyncadd.s32 $0xFFFFD800  }
0x16: {  	s23 =	sadd.s32 s6, s22;
	[bflag:$0x0] =	sbarrier.arrive $0xFFFF  }
0x17: {  	[tilespmem:s4], [sflag:$0x3] =	stream.linear.gather [hbm4b:s23+s4], $0x80, $0x38;
	[tilespmem:$0x1C180] =	vst v63  }
0x18: {  	_ =	swait.ge [sflag:s13], $0x80  }
0x19: {  	[sflag:s13] =	ssyncset.done $0x0  }
0x1a: {  	s28 =	sor.u32 $0x10, s22;
	[sflag:s13] =	ssyncadd.s32 $0xFFFFFF80  }
0x1b: {  	[tilespmem:s15], [sflag:$0x1] =	stream.indirect.gather [hbm4b:s5+s14], $0x80, s4, s14, $0xb8;
	[tilespmem:$0x1C180] =	vst v63  }
0x1c: {  	s24 =	sadd.s32 s6, s28  }
0x1d: {  	[tilespmem:s16], [sflag:$0x3] =	stream.linear.gather [hbm4b:s24+s4], $0x80, $0x38;
	[tilespmem:$0x1C180] =	vst v63  }
0x1e: {  	_ =	swait.ge [sflag:s13], $0x80  }
0x1f: {  	[sflag:s13] =	ssyncset.done $0x0  }
0x20: {  	[sflag:s13] =	ssyncadd.s32 $0xFFFFFF80  }
0x21: {  	[tilespmem:s17], [sflag:$0x2] =	stream.indirect.gather [hbm4b:s5+s14], $0x80, s16, s14, $0xb8;
	[tilespmem:$0x1C180] =	vst v63  }
0x22: {  	_ =	swait.ge [sflag:s18], $0x3E80  }
0x23: {  	[sflag:s18] =	ssyncset.done $0x0  }
0x24: {  	[sflag:s18] =	ssyncadd.s32 $0xFFFFC180  }
0x25: {  	_ =	swait.ge [sflag:s19], $0x3E80  }
0x26: {  	[sflag:s19] =	ssyncset.done $0x0  }
0x27: {  	s22 =	sadd.s32 s1, s22;
	[sflag:s19] =	ssyncadd.s32 $0xFFFFC180  }
0x28: {  	[tilespmem:s20], [sflag:$0x3] =	stream.linear.gather [hbm4b:s22+s4], $0x80, $0x38;
	[tilespmem:$0x1C180] =	vst v63  }
0x29: {  	_ =	swait.ge [sflag:s13], $0x80  }
0x2a: {  	[sflag:s13] =	ssyncset.done $0x0  }
0x2b: {  	[sflag:s13] =	ssyncadd.s32 $0xFFFFFF80  }
0x2c: {  	[spmem:s2] =	stream.indirect.scatter.add.f32 [tilespmem:s15], [sflag:$0x3], $0x80, s20, s14, $0xb8;
	[tilespmem:$0x1C180] =	vst v63  }
0x2d: {  	_ =	swait.ge [sflag:s13], $0x3E80  }
0x2e: {  	[sflag:s13] =	ssyncset.done $0x0  }
0x2f: {  	s29 =	sadd.s32 s1, s28;
	[sflag:s13] =	ssyncadd.s32 $0xFFFFC180  }
0x30: {  	[tilespmem:s20], [sflag:$0x3] =	stream.linear.gather [hbm4b:s29+s4], $0x80, $0x38;
	[tilespmem:$0x1C180] =	vst v63  }
0x31: {  	_ =	swait.ge [sflag:s13], $0x80  }
0x32: {  	[sflag:s13] =	ssyncset.done $0x0  }
0x33: {  	s30 =	simm.s32 $0x20;
	s31 =	sadd.s32 $0x20, s11;
	[sflag:s13] =	ssyncadd.s32 $0xFFFFFF80  }
0x34: {  	[spmem:s2] =	stream.indirect.scatter.add.f32 [tilespmem:s17], [sflag:$0x3], $0x80, s20, s14, $0xb8;
	[tilespmem:$0x1C180] =	vst v63  }
0x35: {  	s23 =	sand.u32 $0xFFFFF80, s31;
	s22 =	sand.u32 $0x60, s30;
	_ =	swait.ge [sflag:s13], $0x3E80  }
0x36: {  	s25 =	simm.s32 $0x40;
	s23 =	sor.u32 s22, s23;
	[sflag:s13] =	ssyncset.done $0x0  }
.LBB2_2:
0x37: {  	s26 =	sadd.s32 s6, s23  }
0x38: {  	[sflag:s13] =	ssyncadd.s32 $0xFFFFC180;
	s24 =	smov.u32 s25;
	s22 =	sadd.s32 $0x20, s25  }
0x39: {  	[tilespmem:s4], [sflag:$0x3] =	stream.linear.gather [hbm4b:s26+s4], $0x80, $0x38;
	[tilespmem:$0x1C180] =	vst v63  }
0x3a: {  	p0 =	sne.s32 s25, $0x260;
	_ =	swait.ge [sflag:s13], $0x80  }
0x3b: {  	[sflag:s13] =	ssyncset.done $0x0  }
0x3c: {  	s25 =	sor.u32 $0x10, s23;
	[sflag:s13] =	ssyncadd.s32 $0xFFFFFF80  }
0x3d: {  	[tilespmem:s15], [sflag:$0x1] =	stream.indirect.gather [hbm4b:s5+s14], $0x80, s4, s14, $0xb8;
	[tilespmem:$0x1C180] =	vst v63  }
0x3e: {  	s26 =	sadd.s32 s6, s25  }
0x3f: {  	[tilespmem:s16], [sflag:$0x3] =	stream.linear.gather [hbm4b:s26+s4], $0x80, $0x38;
	[tilespmem:$0x1C180] =	vst v63  }
0x40: {  	_ =	swait.ge [sflag:s13], $0x80  }
0x41: {  	[sflag:s13] =	ssyncset.done $0x0  }
0x42: {  	[sflag:s13] =	ssyncadd.s32 $0xFFFFFF80  }
0x43: {  	[tilespmem:s17], [sflag:$0x2] =	stream.indirect.gather [hbm4b:s5+s14], $0x80, s16, s14, $0xb8;
	[tilespmem:$0x1C180] =	vst v63  }
0x44: {  	_ =	swait.ge [sflag:s18], $0x3E80  }
0x45: {  	[sflag:s18] =	ssyncset.done $0x0  }
0x46: {  	[sflag:s18] =	ssyncadd.s32 $0xFFFFC180  }
0x47: {  	_ =	swait.ge [sflag:s19], $0x3E80  }
0x48: {  	[sflag:s19] =	ssyncset.done $0x0  }
0x49: {  	s23 =	sadd.s32 s1, s23;
	[sflag:s19] =	ssyncadd.s32 $0xFFFFC180  }
0x4a: {  	[tilespmem:s20], [sflag:$0x3] =	stream.linear.gather [hbm4b:s23+s4], $0x80, $0x38;
	[tilespmem:$0x1C180] =	vst v63  }
0x4b: {  	_ =	swait.ge [sflag:s13], $0x80  }
0x4c: {  	[sflag:s13] =	ssyncset.done $0x0  }
0x4d: {  	[sflag:s13] =	ssyncadd.s32 $0xFFFFFF80  }
0x4e: {  	[spmem:s2] =	stream.indirect.scatter.add.f32 [tilespmem:s15], [sflag:$0x3], $0x80, s20, s14, $0xb8;
	[tilespmem:$0x1C180] =	vst v63  }
0x4f: {  	_ =	swait.ge [sflag:s13], $0x3E80  }
0x50: {  	[sflag:s13] =	ssyncset.done $0x0  }
0x51: {  	s23 =	sadd.s32 s1, s25;
	[sflag:s13] =	ssyncadd.s32 $0xFFFFC180  }
0x52: {  	[tilespmem:s20], [sflag:$0x3] =	stream.linear.gather [hbm4b:s23+s4], $0x80, $0x38;
	[tilespmem:$0x1C180] =	vst v63  }
0x53: {  	_ =	swait.ge [sflag:s13], $0x80  }
.Ltmp0:
0x54: {  	[sflag:s13] =	ssyncset.done $0x0;
	(pc) =	sbr.rel @p0 .LBB2_2-.Ltmp0, $4  }
0x55: {  	s23 =	sadd.s32 s24, s11;
	[sflag:s13] =	ssyncadd.s32 $0xFFFFFF80  }
0x56: {  	[spmem:s2] =	stream.indirect.scatter.add.f32 [tilespmem:s17], [sflag:$0x3], $0x80, s20, s14, $0xb8;
	[tilespmem:$0x1C180] =	vst v63  }
0x57: {  	s24 =	sand.u32 $0x60, s24;
	s23 =	sand.u32 $0xFFFFF80, s23;
	_ =	swait.ge [sflag:s13], $0x3E80  }
0x58: {  	s25 =	smov.u32 s22;
	s23 =	sor.u32 s24, s23;
	[sflag:s13] =	ssyncset.done $0x0  }
0x59: {  	s22 =	sadd.s32 s6, s23;
	[sflag:s13] =	ssyncadd.s32 $0xFFFFC180  }
0x5a: {  	[tilespmem:s4], [sflag:$0x3] =	stream.linear.gather [hbm4b:s22+s4], $0x80, $0x38;
	[tilespmem:$0x1C180] =	vst v63  }
0x5b: {  	_ =	swait.ge [sflag:s13], $0x80  }
0x5c: {  	[sflag:s13] =	ssyncset.done $0x0  }
0x5d: {  	s30 =	sor.u32 $0x10, s23;
	[sflag:s13] =	ssyncadd.s32 $0xFFFFFF80  }
0x5e: {  	[tilespmem:s15], [sflag:$0x1] =	stream.indirect.gather [hbm4b:s5+s14], $0x80, s4, s14, $0xb8;
	[tilespmem:$0x1C180] =	vst v63  }
0x5f: {  	s24 =	sadd.s32 s6, s30  }
0x60: {  	[tilespmem:s16], [sflag:$0x3] =	stream.linear.gather [hbm4b:s24+s4], $0x80, $0x38;
	[tilespmem:$0x1C180] =	vst v63  }
0x61: {  	_ =	swait.ge [sflag:s13], $0x80  }
0x62: {  	[sflag:s13] =	ssyncset.done $0x0  }
0x63: {  	[sflag:s13] =	ssyncadd.s32 $0xFFFFFF80  }
0x64: {  	[tilespmem:s17], [sflag:$0x2] =	stream.indirect.gather [hbm4b:s5+s14], $0x80, s16, s14, $0xb8;
	[tilespmem:$0x1C180] =	vst v63  }
0x65: {  	_ =	swait.ge [sflag:s18], $0x3E80  }
0x66: {  	[sflag:s18] =	ssyncset.done $0x0  }
0x67: {  	[sflag:s18] =	ssyncadd.s32 $0xFFFFC180  }
0x68: {  	_ =	swait.ge [sflag:s19], $0x3E80  }
0x69: {  	[sflag:s19] =	ssyncset.done $0x0  }
0x6a: {  	s31 =	sadd.s32 s1, s23;
	[sflag:s19] =	ssyncadd.s32 $0xFFFFC180  }
0x6b: {  	[tilespmem:s20], [sflag:$0x3] =	stream.linear.gather [hbm4b:s31+s4], $0x80, $0x38;
	[tilespmem:$0x1C180] =	vst v63  }
0x6c: {  	_ =	swait.ge [sflag:s13], $0x80  }
0x6d: {  	[sflag:s13] =	ssyncset.done $0x0  }
0x6e: {  	[sflag:s13] =	ssyncadd.s32 $0xFFFFFF80  }
0x6f: {  	[spmem:s2] =	stream.indirect.scatter.add.f32 [tilespmem:s15], [sflag:$0x3], $0x80, s20, s14, $0xb8;
	[tilespmem:$0x1C180] =	vst v63  }
0x70: {  	_ =	swait.ge [sflag:s13], $0x3E80  }
0x71: {  	[sflag:s13] =	ssyncset.done $0x0  }
0x72: {  	s22 =	sadd.s32 s1, s30;
	[sflag:s13] =	ssyncadd.s32 $0xFFFFC180  }
0x73: {  	[tilespmem:s20], [sflag:$0x3] =	stream.linear.gather [hbm4b:s22+s4], $0x80, $0x38;
	[tilespmem:$0x1C180] =	vst v63  }
0x74: {  	_ =	swait.ge [sflag:s13], $0x80  }
0x75: {  	[sflag:s13] =	ssyncset.done $0x0  }
0x76: {  	[sflag:s13] =	ssyncadd.s32 $0xFFFFFF80  }
0x77: {  	[spmem:s2] =	stream.indirect.scatter.add.f32 [tilespmem:s17], [sflag:$0x3], $0x80, s20, s14, $0xb8;
	[tilespmem:$0x1C180] =	vst v63  }
0x78: {  	_ =	swait.ge [sflag:s13], $0x3E80  }
0x79: {  	s21 =	sadd.s32 $0x1, s21;
	[sflag:s13] =	ssyncset.done $0x0  }
0x7a: {  	p0 =	sne.s32 s21, s10;
	[sflag:s13] =	ssyncadd.s32 $0xFFFFC180  }
.Ltmp1:
0x7b: {  	[bflag:$0x0] =	sbarrier.arrive $0xFFFF;
	(pc) =	sbr.rel @p0 .LBB2_1-.Ltmp1, $4  }
0x7c: {  	[hbm:s9], [sflag:s8] =	dma.local [spmem:s12], $0x2800  }
0x7d: {  	_ =	swait.ge [sflag:s13], $0x2800  }
0x7e: {  	[sflag:s13] =	ssyncset.done $0x0  }
0x7f: {  	[sflag:s13] =	ssyncadd.s32 $0xFFFFD800  }
0x80: {  	_ =	sfence.sel $0x180000  }
0x81: {  	[bflag:$0x0] =	sbarrier.arrive $0xFFFF  }
0x82: {  	p0 =	sne.s32 s3, $0x0;
	_ =	strace $0x9000004A  }
0x83: {  	s0 =	sadd.s32 @!p0 $0x100000, s0;
	[bflag:$0x2] =	sbarrier.arrive $0xFFFF  }
0x84: {  	[sflag:s0] =	ssyncadd.tile.s32 @!p0 $0x1;
	_ =	shalt  }
.Lfunc_end2:
_tile_overlayer_lowered:
.L_overlay_start_2:
0x85: {  	(tag) =	ssettag $0x2  }
0x86: {  	s0 =	rddreg [dreg:$0x0];
	s2 =	stileid.u32  }
0x87: {  	s1 =	rddreg [dreg:$0x1];
	p0 =	sne.s32 s2, $0x0  }
0x88: {  	s3 =	rddreg [dreg:$0x2];
	[bflag:$0x3] =	sbarrier.arrive $0xFFFF;
	s2 =	simm.s32 @!p0 $0x1C03  }
0x89: {  	[timem:s3], [sflag:s2] =	dma.local @!p0 [hbm:s0], s1  }
0x8a: {  	s0 =	simm.s32 @!p0 $0x3  }
0x8b: {  	_ =	swait.ge @!p0 [sflag:s0], s1  }
0x8c: {  	s1 =	ssub.s32 @!p0 $0x0, s1;
	[sflag:s0] =	ssyncset.done @!p0 $0x0  }
0x8d: {  	[sflag:s0] =	ssyncadd.s32 @!p0 s1  }
0x8e: {  	[bflag:$0x3] =	sbarrier.arrive $0xFFFF  }
0x8f: {  	_ =	shalt  }

// kernel: kernel.15.cloned.1.call-start
scs
__scs_entry_jumppad:
0x0: {  	(pc) =	sbr.rel $0x88, $3  }
0x1: {  	(tag) =	ssettag $0x0;
	lr =	simm.s32 $0x1  }
0x2: {  	[smem:$0x3F99] =	sst lr;
	_ =	strace $0xD0000000  }
0x3: {  	_ = 	snop  }
0x4: {  	_ = 	snop  }
0x5: {  	_ = 	snop  }
0x6: {  	_ = 	snop  }
0x7: {  	_ = 	snop  }
__scs_overlays_trampoline_lowered:
0x8: {  	[smem:$0x3FA8] =	sst s0  }
0x9: {  	[smem:$0x3FA9] =	sst s1  }
0xa: {  	[smem:$0x3FAA] =	sst s2  }
0xb: {  	[smem:$0x3FAB] =	sst s3  }
0xc: {  	[smem:$0x3FAC] =	sst s4  }
0xd: {  	[smem:$0x3FAD] =	sst s5  }
0xe: {  	[smem:$0x3FAE] =	sst s6  }
0xf: {  	[smem:$0x3FAF] =	sst s7  }
0x10: {  	[smem:$0x3FB0] =	sst s8  }
0x11: {  	[smem:$0x3FB1] =	sst s9;
	s0 =	simm.s32 @!p0 $0x0  }
0x12: {  	s1 =	sld [smem:$0x3F97];
	s0 =	simm.s32 @p0 $0x1  }
0x13: {  	[smem:$0x3FB2] =	sst s0;
	s0 =	simm.s32 @!p1 $0x0  }
0x14: {  	s2 =	sld [smem:$0x3F96];
	s0 =	simm.s32 @p1 $0x1  }
0x15: {  	[smem:$0x3FB3] =	sst s0;
	s0 =	simm.s32 @!p2 $0x0  }
0x16: {  	s3 =	sld [smem:$0x3FDB];
	s0 =	simm.s32 @p2 $0x1  }
0x17: {  	s4 =	simm.s32 $0x1BF5;
	[smem:$0x3FB5] =	sst s0  }
0x18: {  	s0 =	sld [smem:$0x3F98];
	_ =	swait.ge [sflag:s4], $0x0  }
0x19: {  	s7 =	sld [smem:$0x3F99]  }
0x1a: {  	s8 =	sadd.s32 $0xFFFFE003, lr  }
0x1b: {  	s9 =	sadd.s32 $0xFFFFFEF7, lr;
	s5 =	simm.s32 $0xFFFFFFFF;
	p2 =	slt.u32 s8, $0xFFFFF086  }
0x1c: {  	p1 =	slt.u32 s9, $0xF7A;
	s5 =	simm.s32 @!p2 $0x0  }
0x1d: {  	s5 =	simm.s32 @p1 $0x1;
	p0 =	seq.s32 s7, s2  }
0x1e: {  	s7 =	smul.u32 @!p0 $0xF7A, s2;
	p2 =	seq.s32 @!p0 s5, $0x0  }
0x1f: {  	s9 =	smul.u32 $0xF7A, s1;
	s8 =	simm.s32 @!p0 $0x1BF5;
	p2 =	por !p2, p0  }
0x20: {  	[sflag:s8] =	ssyncset.s32 @!p0 $0xFFFFF086;
	s6 =	sadd.s32 @!p0 s3, s7;
	s7 =	simm.s32 @!p0 $0x108  }
0x21: {  	s3 =	sadd.s32 s3, s9;
	s6 =	sadd.s32 @!p0 $0x88, s6;
	s7 =	simm.s32 @p2 $0x1082  }
0x22: {  	[simem:s7], [sflag:s8] =	dma.local @!p0 [hbm:s6], $0xF7A  }
0x23: {  	s9 =	sor.u32 $0xD0000000, s2;
	s6 =	simm.s32 $0x108;
	_ =	swait.ge @!p0 [sflag:s8], $0x0  }
0x24: {  	s3 =	sadd.s32 $0x88, s3;
	s6 =	simm.s32 @!p1 $0x1082;
	[sflag:s4] =	ssyncset.s32 $0xFFFFF086  }
0x25: {  	[simem:s6], [sflag:s4] =	dma.local [hbm:s3], $0xF7A  }
0x26: {  	[smem:$0x3F99] =	sst s1;
	(tag) =	ssettag s2;
	_ =	strace s9  }
0x27: {  	s1 =	sld [smem:$0x3FA9]  }
0x28: {  	s2 =	sld [smem:$0x3FAA]  }
0x29: {  	s4 =	sld [smem:$0x3FAC]  }
0x2a: {  	p0 =	seq.s32 s5, $0x0;
	s5 =	sld [smem:$0x3FAD]  }
0x2b: {  	s6 =	sld [smem:$0x3FAE]  }
0x2c: {  	s7 =	sld [smem:$0x3FAF]  }
0x2d: {  	s3 =	simm.s32 $0x108;
	s8 =	sld [smem:$0x3FB0]  }
0x2e: {  	s3 =	simm.s32 @!p0 $0x1082;
	s9 =	sld [smem:$0x3FB1]  }
0x2f: {  	lr =	sadd.s32 s0, s3;
	s0 =	sld [smem:$0x3FA8]  }
0x30: {  	s3 =	sld [smem:$0x3FAB]  }
0x31: {  	[smem:$0x3FB4] =	sst s10  }
0x32: {  	s10 =	sld [smem:$0x3FB2];
	_ =	sdelay $0x3  }
0x33: {  	p0 =	seq.s32 s10, $0x1;
	s10 =	sld [smem:$0x3FB4];
	_ =	sdelay $0x3  }
0x34: {  	[smem:$0x3FB4] =	sst s10  }
0x35: {  	s10 =	sld [smem:$0x3FB3];
	_ =	sdelay $0x3  }
0x36: {  	p1 =	seq.s32 s10, $0x1;
	s10 =	sld [smem:$0x3FB4];
	_ =	sdelay $0x3  }
0x37: {  	[smem:$0x3FB4] =	sst s10  }
0x38: {  	s10 =	sld [smem:$0x3FB5]  }
0x39: {  	_ = 	snop;
	(pc) =	sbr.ind lr, $3  }
0x3a: {  	_ = 	snop  }
0x3b: {  	_ = 	snop  }
0x3c: {  	p2 =	seq.s32 s10, $0x1;
	s10 =	sld [smem:$0x3FB4]  }
0x3d: {  	_ =	shalt  }
0x3e: {  	_ =	shalt  }
0x3f: {  	_ =	shalt  }
0x40: {  	_ =	shalt  }
0x41: {  	_ =	shalt  }
0x42: {  	_ =	shalt  }
0x43: {  	_ =	shalt  }
0x44: {  	_ =	shalt  }
0x45: {  	_ =	shalt  }
0x46: {  	_ =	shalt  }
0x47: {  	_ =	shalt  }
0x48: {  	_ =	shalt  }
0x49: {  	_ =	shalt  }
0x4a: {  	_ =	shalt  }
0x4b: {  	_ =	shalt  }
0x4c: {  	_ =	shalt  }
0x4d: {  	_ =	shalt  }
0x4e: {  	_ =	shalt  }
0x4f: {  	_ =	shalt  }
0x50: {  	_ =	shalt  }
0x51: {  	_ =	shalt  }
0x52: {  	_ =	shalt  }
0x53: {  	_ =	shalt  }
0x54: {  	_ =	shalt  }
0x55: {  	_ =	shalt  }
0x56: {  	_ =	shalt  }
0x57: {  	_ =	shalt  }
0x58: {  	_ =	shalt  }
0x59: {  	_ =	shalt  }
0x5a: {  	_ =	shalt  }
0x5b: {  	_ =	shalt  }
0x5c: {  	_ =	shalt  }
0x5d: {  	_ =	shalt  }
0x5e: {  	_ =	shalt  }
0x5f: {  	_ =	shalt  }
0x60: {  	_ =	shalt  }
0x61: {  	_ =	shalt  }
0x62: {  	_ =	shalt  }
0x63: {  	_ =	shalt  }
0x64: {  	_ =	shalt  }
0x65: {  	_ =	shalt  }
0x66: {  	_ =	shalt  }
0x67: {  	_ =	shalt  }
0x68: {  	_ =	shalt  }
0x69: {  	_ =	shalt  }
0x6a: {  	_ =	shalt  }
0x6b: {  	_ =	shalt  }
0x6c: {  	_ =	shalt  }
0x6d: {  	_ =	shalt  }
0x6e: {  	_ =	shalt  }
0x6f: {  	_ =	shalt  }
0x70: {  	_ =	shalt  }
0x71: {  	_ =	shalt  }
0x72: {  	_ =	shalt  }
0x73: {  	_ =	shalt  }
0x74: {  	_ =	shalt  }
0x75: {  	_ =	shalt  }
0x76: {  	_ =	shalt  }
0x77: {  	_ =	shalt  }
0x78: {  	_ =	shalt  }
0x79: {  	_ =	shalt  }
0x7a: {  	_ =	shalt  }
0x7b: {  	_ =	shalt  }
0x7c: {  	_ =	shalt  }
0x7d: {  	_ =	shalt  }
0x7e: {  	_ =	shalt  }
0x7f: {  	_ =	shalt  }
0x80: {  	_ =	shalt  }
0x81: {  	_ =	shalt  }
0x82: {  	_ =	shalt  }
0x83: {  	_ =	shalt  }
0x84: {  	_ =	shalt  }
0x85: {  	_ =	shalt  }
0x86: {  	_ =	shalt  }
0x87: {  	_ =	shalt  }
.Lfunc_end0:
.L_simem_size_0:
called_computation.2_lowered:
.L_overlay_start_0:
0x88: {  	s2 =	sld [smem:$0x3FD9]  }
0x89: {  	s3 =	sld [smem:$0x3FFE];
	_ =	sdelay $0x1  }
0x8a: {  	s1 =	srdreg.scid  }
0x8b: {  	s0 =	sand.u32 $0x1, s1  }
0x8c: {  	s14 =	sshll.u32 s0, $0xA;
	s2 =	sadd.s32 s3, s2  }
0x8d: {  	s2 =	sadd.s32 s2, s14  }
0x8e: {  	[smem:$0x3FC0] =	sst s2  }
0x8f: {  	_ = 	snop  }
0x90: {  	s2 =	sld [smem:$0x3FD0];
	_ =	sdelay $0x2  }
0x91: {  	s15 =	simm.s32 $0xA;
	s4 =	simm.s32 $0x10  }
0x92: {  	[smem:s4], [sflag:s15] =	dma.local [hbm:s2], $0x1  }
0x93: {  	_ =	swait.eq [sflag:s15], $0x1  }
0x94: {  	[sflag:s15] =	ssyncset.done $0x0  }
0x95: {  	s16 =	sld [smem:$0x10];
	[sflag:s15] =	ssyncadd.s32 $0xFFFFFFFF  }
0x96: {  	s17 =	sld [smem:$0x11];
	(tm) =	ssettm $0x1  }
0x97: {  	s18 =	sld [smem:$0x3FFB];
	_ =	sdelay $0x3  }
0x98: {  	_ =	strace s18  }
0x99: {  	s4 =	sld [smem:$0x3FFC];
	_ =	sdelay $0x3  }
0x9a: {  	_ =	strace s4  }
0x9b: {  	s4 =	sld [smem:$0x3FFD];
	_ =	sdelay $0x3  }
0x9c: {  	_ =	strace s4  }
0x9d: {  	_ =	strace $0x8FFFFFFF  }
0x9e: {  	s19 =	sld [smem:$0x3FDB];
	_ =	sdelay $0x1  }
0x9f: {  	s5 =	simm.s32 $_scs_section_size  }
0xa0: {  	s6 =	simm.s32 $_size__tile_overlayer_lowered;
	s7 =	simm.s32 $_tile_overlayer_lowered  }
0xa1: {  	s22 =	simm.s32 $0x1BFF;
	s21 =	sshll.u32 s7, $0x1;
	s4 =	sadd.s32 s5, s19  }
0xa2: {  	s8 =	simm.s32 $0x0;
	s20 =	sshll.u32 s6, $0x1;
	s6 =	sadd.s32 s21, s4  }
0xa3: {  	[timem:s8], [sflag:s22] =	dma.local [hbm:s6], s20  }
0xa4: {  	_ =	swait.ge [sflag:s22], s20  }
0xa5: {  	s5 =	ssub.s32 $0x0, s20;
	[sflag:s22] =	ssyncset.done $0x0  }
0xa6: {  	[sflag:s22] =	ssyncadd.s32 s5;
	_ =	sdelay $0x1  }
0xa7: {  	s23 =	simm.s32 $0x1B8B  }
0xa8: {  	_ =	swait.ge [sflag:s23], $0x1  }
0xa9: {  	[sflag:s23] =	ssyncset.done $0x0  }
0xaa: {  	s25 =	simm.s32 $0x1B8E;
	s24 =	sld [smem:$0x3FFE];
	[sflag:s23] =	ssyncadd.s32 $0xFFFFFFFF  }
0xab: {  	s26 =	simm.s32 $execute0_lowered;
	[smem:$0x3FD2] =	sst s25  }
0xac: {  	s6 =	sshll.u32 s26, $0x1;
	_ =	strace $0x8000004C;
	[dreg:$0x1] =	wrdreg $0xFFFFFFFF  }
0xad: {  	s28 =	simm.s32 $_size_execute0_lowered;
	s4 =	sadd.s32 s4, s6;
	[dreg:$0x0] =	wrdreg $0x0  }
0xae: {  	s6 =	sshll.u32 s28, $0x1;
	[dreg:$0x2] =	wrdreg s4  }
0xaf: {  	[dreg:$0x3] =	wrdreg s6  }
0xb0: {  	[dreg:$0x4] =	wrdreg $0xC0  }
0xb1: {  	_ =	task [dreg:s8], $0x5FFFF  }
0xb2: {  	[dreg:$0x1] =	wrdreg $0xFFFFFFFF  }
0xb3: {  	[dreg:$0x0] =	wrdreg $0x60  }
0xb4: {  	[dreg:$0x2] =	wrdreg s24  }
0xb5: {  	[dreg:$0x3] =	wrdreg s17  }
0xb6: {  	[dreg:$0x4] =	wrdreg s16  }
0xb7: {  	[dreg:$0x5] =	wrdreg $0x81800  }
0xb8: {  	[dreg:$0x6] =	wrdreg $0x9  }
0xb9: {  	_ =	task.clear_ibuf [dreg:s8], $0x7FFFF;
	_ =	strace $0x9000004C  }
0xba: {  	s29 =	simm.s32 $0x9;
	_ =	strace $0x8000004E  }
0xbb: {  	_ =	swait.ge [sflag:s29], $0x1  }
0xbc: {  	[sflag:s29] =	ssyncadd.s32 $0xFFFFFFFF  }
0xbd: {  	_ =	strace $0x9000004E  }
0xbe: {  	_ =	sfence  }
0xbf: {  	s30 =	sld [smem:$0x0];
	_ =	sdelay $0x2  }
0xc0: {  	s31 =	sshll.u32 s1, $0xD;
	s1 =	sshrl.u32 s1, $0x2  }
0xc1: {  	s3 =	sand.u32 $0x4000, s31;
	s1 =	sadd.s32 s1, s30  }
0xc2: {  	s0 =	sor.u32 s3, s0;
	s1 =	sshll.u32 s1, $0x11  }
0xc3: {  	s0 =	sor.u32 s1, s0  }
0xc4: {  	s0 =	sadd.s32 $0x8F2B, s0  }
0xc5: {  	[sflag:s0] =	ssyncadd.remote.s32 $0x1  }
0xc6: {  	_ =	sfence.sel $0xFFFF  }
0xc7: {  	[dreg:$0x0] =	wrdreg $0xFFFFFFFF;
	(pc) =	sbr.abs _section_cstart, $3  }
0xc8: {  	[dreg:$0x1] =	wrdreg $0xFFFFFFFF  }
0xc9: {  	_ =	task.clear_ibuf [dreg:s8], $0x2FFFF;
	_ =	strace $0x9FFFFFFF  }
0xca: {  	(tm) =	ssettm $0x7FFFFFFF  }
0xcb: {  	_ =	shalt  }
tec
execute0_lowered:
.L_overlay_start_1:
0x0: {  	(tag) =	ssettag $0x1  }
0x1: {  	s7 =	rddreg [dreg:$0x0]  }
0x2: {  	s1 =	rddreg [dreg:$0x1]  }
0x3: {  	s9 =	rddreg [dreg:$0x2]  }
0x4: {  	s2 =	rddreg [dreg:$0x3]  }
0x5: {  	s0 =	rddreg [dreg:$0x4];
	s4 =	simm.s32 $0x0;
	s3 =	stileid.u32  }
0x6: {  	s6 =	srdreg.scid;
	s17 =	simm.s32 $0x4180;
	s18 =	simm.s32 $0x1  }
0x7: {  	s19 =	simm.s32 $0x2;
	s20 =	simm.s32 $0x100;
	s8 =	smul.u32 $0x14000, s3  }
0x8: {  	s21 =	simm.s32 $0x0;
	[smem:$0x7FF] =	sst s4;
	s12 =	smul.u32 $0x50000, s3  }
0x9: {  	s5 =	sadd.s32 $0x58400, s7;
	s10 =	sand.u32 $0x1, s6;
	s30 =	smul.u32 $0x500, s3  }
0xa: {  	s6 =	sadd.s32 $0x53400, s7;
	s31 =	sshll.u32 s3, $0x6;
	s15 =	smul.u32 $0x140000, s10  }
0xb: {  	_ =	strace $0x8000004D;
	s11 =	ssub.s32 $0x2, s10;
	s16 =	smul.u32 $0x280, s10  }
0xc: {  	s13 =	sshrl.u32 s8, $0x3;
	s14 =	sshrl.u32 s11, $0x1;
	s12 =	sshrl.u32 s12, $0x2  }
0xd: {  	s7 =	sadd.s32 s13, s7;
	s11 =	ssub.s32 s11, s14;
	s12 =	sadd.s32 s12, s2  }
0xe: {  	s8 =	sadd.s32 s8, s15;
	s13 =	simm.s32 $0x3;
	s14 =	simm.s32 $0x7D  }
0xf: {  	s15 =	sshrl.u32 s8, $0x3;
	s7 =	sadd.s32 $0x7F600, s7;
	s8 =	sor.u32 $0x1C03, s31  }
0x10: {  	s10 =	smax.u32 s11, $0x1;
	s11 =	sadd.s32 s16, s30;
	s12 =	sshrl.u32 s12, $0x3  }
0x11: {  	s16 =	simm.s32 $0x80;
	s9 =	sadd.s32 s9, s15;
	s15 =	simm.s32 $0x180  }
.LBB2_1:
0x12: {  	[spmem:s12], [sflag:s8] =	dma.local [hbm:s7], $0x2800  }
0x13: {  	s22 =	sadd.s32 $0x0, s11;
	_ =	swait.ge [sflag:s13], $0x2800  }
0x14: {  	s23 =	sand.u32 $0x60, s4;
	s22 =	sand.u32 $0xFFFFF80, s22;
	[sflag:s13] =	ssyncset.done $0x0  }
0x15: {  	s22 =	sor.u32 s23, s22;
	[sflag:s13] =	ssyncadd.s32 $0xFFFFD800  }
0x16: {  	s23 =	sadd.s32 s6, s22;
	[bflag:$0x0] =	sbarrier.arrive $0xFFFF  }
0x17: {  	[tilespmem:s4], [sflag:$0x3] =	stream.linear.gather [hbm4b:s23+s4], $0x80, $0x38;
	[tilespmem:$0x1C180] =	vst v63  }
0x18: {  	_ =	swait.ge [sflag:s13], $0x80  }
0x19: {  	[sflag:s13] =	ssyncset.done $0x0  }
0x1a: {  	s28 =	sor.u32 $0x10, s22;
	[sflag:s13] =	ssyncadd.s32 $0xFFFFFF80  }
0x1b: {  	[tilespmem:s15], [sflag:$0x1] =	stream.indirect.gather [hbm4b:s5+s14], $0x80, s4, s14, $0xb8;
	[tilespmem:$0x1C180] =	vst v63  }
0x1c: {  	s24 =	sadd.s32 s6, s28  }
0x1d: {  	[tilespmem:s16], [sflag:$0x3] =	stream.linear.gather [hbm4b:s24+s4], $0x80, $0x38;
	[tilespmem:$0x1C180] =	vst v63  }
0x1e: {  	_ =	swait.ge [sflag:s13], $0x80  }
0x1f: {  	[sflag:s13] =	ssyncset.done $0x0  }
0x20: {  	[sflag:s13] =	ssyncadd.s32 $0xFFFFFF80  }
0x21: {  	[tilespmem:s17], [sflag:$0x2] =	stream.indirect.gather [hbm4b:s5+s14], $0x80, s16, s14, $0xb8;
	[tilespmem:$0x1C180] =	vst v63  }
0x22: {  	_ =	swait.ge [sflag:s18], $0x3E80  }
0x23: {  	[sflag:s18] =	ssyncset.done $0x0  }
0x24: {  	[sflag:s18] =	ssyncadd.s32 $0xFFFFC180  }
0x25: {  	_ =	swait.ge [sflag:s19], $0x3E80  }
0x26: {  	[sflag:s19] =	ssyncset.done $0x0  }
0x27: {  	s22 =	sadd.s32 s1, s22;
	[sflag:s19] =	ssyncadd.s32 $0xFFFFC180  }
0x28: {  	[tilespmem:s20], [sflag:$0x3] =	stream.linear.gather [hbm4b:s22+s4], $0x80, $0x38;
	[tilespmem:$0x1C180] =	vst v63  }
0x29: {  	_ =	swait.ge [sflag:s13], $0x80  }
0x2a: {  	[sflag:s13] =	ssyncset.done $0x0  }
0x2b: {  	[sflag:s13] =	ssyncadd.s32 $0xFFFFFF80  }
0x2c: {  	[spmem:s2] =	stream.indirect.scatter.add.f32 [tilespmem:s15], [sflag:$0x3], $0x80, s20, s14, $0xb8;
	[tilespmem:$0x1C180] =	vst v63  }
0x2d: {  	_ =	swait.ge [sflag:s13], $0x3E80  }
0x2e: {  	[sflag:s13] =	ssyncset.done $0x0  }
0x2f: {  	s29 =	sadd.s32 s1, s28;
	[sflag:s13] =	ssyncadd.s32 $0xFFFFC180  }
0x30: {  	[tilespmem:s20], [sflag:$0x3] =	stream.linear.gather [hbm4b:s29+s4], $0x80, $0x38;
	[tilespmem:$0x1C180] =	vst v63  }
0x31: {  	_ =	swait.ge [sflag:s13], $0x80  }
0x32: {  	[sflag:s13] =	ssyncset.done $0x0  }
0x33: {  	s30 =	simm.s32 $0x20;
	s31 =	sadd.s32 $0x20, s11;
	[sflag:s13] =	ssyncadd.s32 $0xFFFFFF80  }
0x34: {  	[spmem:s2] =	stream.indirect.scatter.add.f32 [tilespmem:s17], [sflag:$0x3], $0x80, s20, s14, $0xb8;
	[tilespmem:$0x1C180] =	vst v63  }
0x35: {  	s23 =	sand.u32 $0xFFFFF80, s31;
	s22 =	sand.u32 $0x60, s30;
	_ =	swait.ge [sflag:s13], $0x3E80  }
0x36: {  	s25 =	simm.s32 $0x40;
	s23 =	sor.u32 s22, s23;
	[sflag:s13] =	ssyncset.done $0x0  }
.LBB2_2:
0x37: {  	s26 =	sadd.s32 s6, s23  }
0x38: {  	[sflag:s13] =	ssyncadd.s32 $0xFFFFC180;
	s24 =	smov.u32 s25;
	s22 =	sadd.s32 $0x20, s25  }
0x39: {  	[tilespmem:s4], [sflag:$0x3] =	stream.linear.gather [hbm4b:s26+s4], $0x80, $0x38;
	[tilespmem:$0x1C180] =	vst v63  }
0x3a: {  	p0 =	sne.s32 s25, $0x260;
	_ =	swait.ge [sflag:s13], $0x80  }
0x3b: {  	[sflag:s13] =	ssyncset.done $0x0  }
0x3c: {  	s25 =	sor.u32 $0x10, s23;
	[sflag:s13] =	ssyncadd.s32 $0xFFFFFF80  }
0x3d: {  	[tilespmem:s15], [sflag:$0x1] =	stream.indirect.gather [hbm4b:s5+s14], $0x80, s4, s14, $0xb8;
	[tilespmem:$0x1C180] =	vst v63  }
0x3e: {  	s26 =	sadd.s32 s6, s25  }
0x3f: {  	[tilespmem:s16], [sflag:$0x3] =	stream.linear.gather [hbm4b:s26+s4], $0x80, $0x38;
	[tilespmem:$0x1C180] =	vst v63  }
0x40: {  	_ =	swait.ge [sflag:s13], $0x80  }
0x41: {  	[sflag:s13] =	ssyncset.done $0x0  }
0x42: {  	[sflag:s13] =	ssyncadd.s32 $0xFFFFFF80  }
0x43: {  	[tilespmem:s17], [sflag:$0x2] =	stream.indirect.gather [hbm4b:s5+s14], $0x80, s16, s14, $0xb8;
	[tilespmem:$0x1C180] =	vst v63  }
0x44: {  	_ =	swait.ge [sflag:s18], $0x3E80  }
0x45: {  	[sflag:s18] =	ssyncset.done $0x0  }
0x46: {  	[sflag:s18] =	ssyncadd.s32 $0xFFFFC180  }
0x47: {  	_ =	swait.ge [sflag:s19], $0x3E80  }
0x48: {  	[sflag:s19] =	ssyncset.done $0x0  }
0x49: {  	s23 =	sadd.s32 s1, s23;
	[sflag:s19] =	ssyncadd.s32 $0xFFFFC180  }
0x4a: {  	[tilespmem:s20], [sflag:$0x3] =	stream.linear.gather [hbm4b:s23+s4], $0x80, $0x38;
	[tilespmem:$0x1C180] =	vst v63  }
0x4b: {  	_ =	swait.ge [sflag:s13], $0x80  }
0x4c: {  	[sflag:s13] =	ssyncset.done $0x0  }
0x4d: {  	[sflag:s13] =	ssyncadd.s32 $0xFFFFFF80  }
0x4e: {  	[spmem:s2] =	stream.indirect.scatter.add.f32 [tilespmem:s15], [sflag:$0x3], $0x80, s20, s14, $0xb8;
	[tilespmem:$0x1C180] =	vst v63  }
0x4f: {  	_ =	swait.ge [sflag:s13], $0x3E80  }
0x50: {  	[sflag:s13] =	ssyncset.done $0x0  }
0x51: {  	s23 =	sadd.s32 s1, s25;
	[sflag:s13] =	ssyncadd.s32 $0xFFFFC180  }
0x52: {  	[tilespmem:s20], [sflag:$0x3] =	stream.linear.gather [hbm4b:s23+s4], $0x80, $0x38;
	[tilespmem:$0x1C180] =	vst v63  }
0x53: {  	_ =	swait.ge [sflag:s13], $0x80  }
.Ltmp0:
0x54: {  	[sflag:s13] =	ssyncset.done $0x0;
	(pc) =	sbr.rel @p0 .LBB2_2-.Ltmp0, $4  }
0x55: {  	s23 =	sadd.s32 s24, s11;
	[sflag:s13] =	ssyncadd.s32 $0xFFFFFF80  }
0x56: {  	[spmem:s2] =	stream.indirect.scatter.add.f32 [tilespmem:s17], [sflag:$0x3], $0x80, s20, s14, $0xb8;
	[tilespmem:$0x1C180] =	vst v63  }
0x57: {  	s24 =	sand.u32 $0x60, s24;
	s23 =	sand.u32 $0xFFFFF80, s23;
	_ =	swait.ge [sflag:s13], $0x3E80  }
0x58: {  	s25 =	smov.u32 s22;
	s23 =	sor.u32 s24, s23;
	[sflag:s13] =	ssyncset.done $0x0  }
0x59: {  	s22 =	sadd.s32 s6, s23;
	[sflag:s13] =	ssyncadd.s32 $0xFFFFC180  }
0x5a: {  	[tilespmem:s4], [sflag:$0x3] =	stream.linear.gather [hbm4b:s22+s4], $0x80, $0x38;
	[tilespmem:$0x1C180] =	vst v63  }
0x5b: {  	_ =	swait.ge [sflag:s13], $0x80  }
0x5c: {  	[sflag:s13] =	ssyncset.done $0x0  }
0x5d: {  	s30 =	sor.u32 $0x10, s23;
	[sflag:s13] =	ssyncadd.s32 $0xFFFFFF80  }
0x5e: {  	[tilespmem:s15], [sflag:$0x1] =	stream.indirect.gather [hbm4b:s5+s14], $0x80, s4, s14, $0xb8;
	[tilespmem:$0x1C180] =	vst v63  }
0x5f: {  	s24 =	sadd.s32 s6, s30  }
0x60: {  	[tilespmem:s16], [sflag:$0x3] =	stream.linear.gather [hbm4b:s24+s4], $0x80, $0x38;
	[tilespmem:$0x1C180] =	vst v63  }
0x61: {  	_ =	swait.ge [sflag:s13], $0x80  }
0x62: {  	[sflag:s13] =	ssyncset.done $0x0  }
0x63: {  	[sflag:s13] =	ssyncadd.s32 $0xFFFFFF80  }
0x64: {  	[tilespmem:s17], [sflag:$0x2] =	stream.indirect.gather [hbm4b:s5+s14], $0x80, s16, s14, $0xb8;
	[tilespmem:$0x1C180] =	vst v63  }
0x65: {  	_ =	swait.ge [sflag:s18], $0x3E80  }
0x66: {  	[sflag:s18] =	ssyncset.done $0x0  }
0x67: {  	[sflag:s18] =	ssyncadd.s32 $0xFFFFC180  }
0x68: {  	_ =	swait.ge [sflag:s19], $0x3E80  }
0x69: {  	[sflag:s19] =	ssyncset.done $0x0  }
0x6a: {  	s31 =	sadd.s32 s1, s23;
	[sflag:s19] =	ssyncadd.s32 $0xFFFFC180  }
0x6b: {  	[tilespmem:s20], [sflag:$0x3] =	stream.linear.gather [hbm4b:s31+s4], $0x80, $0x38;
	[tilespmem:$0x1C180] =	vst v63  }
0x6c: {  	_ =	swait.ge [sflag:s13], $0x80  }
0x6d: {  	[sflag:s13] =	ssyncset.done $0x0  }
0x6e: {  	[sflag:s13] =	ssyncadd.s32 $0xFFFFFF80  }
0x6f: {  	[spmem:s2] =	stream.indirect.scatter.add.f32 [tilespmem:s15], [sflag:$0x3], $0x80, s20, s14, $0xb8;
	[tilespmem:$0x1C180] =	vst v63  }
0x70: {  	_ =	swait.ge [sflag:s13], $0x3E80  }
0x71: {  	[sflag:s13] =	ssyncset.done $0x0  }
0x72: {  	s22 =	sadd.s32 s1, s30;
	[sflag:s13] =	ssyncadd.s32 $0xFFFFC180  }
0x73: {  	[tilespmem:s20], [sflag:$0x3] =	stream.linear.gather [hbm4b:s22+s4], $0x80, $0x38;
	[tilespmem:$0x1C180] =	vst v63  }
0x74: {  	_ =	swait.ge [sflag:s13], $0x80  }
0x75: {  	[sflag:s13] =	ssyncset.done $0x0  }
0x76: {  	[sflag:s13] =	ssyncadd.s32 $0xFFFFFF80  }
0x77: {  	[spmem:s2] =	stream.indirect.scatter.add.f32 [tilespmem:s17], [sflag:$0x3], $0x80, s20, s14, $0xb8;
	[tilespmem:$0x1C180] =	vst v63  }
0x78: {  	_ =	swait.ge [sflag:s13], $0x3E80  }
0x79: {  	s21 =	sadd.s32 $0x1, s21;
	[sflag:s13] =	ssyncset.done $0x0  }
0x7a: {  	p0 =	sne.s32 s21, s10;
	[sflag:s13] =	ssyncadd.s32 $0xFFFFC180  }
.Ltmp1:
0x7b: {  	[bflag:$0x0] =	sbarrier.arrive $0xFFFF;
	(pc) =	sbr.rel @p0 .LBB2_1-.Ltmp1, $4  }
0x7c: {  	[hbm:s9], [sflag:s8] =	dma.local [spmem:s12], $0x2800  }
0x7d: {  	_ =	swait.ge [sflag:s13], $0x2800  }
0x7e: {  	[sflag:s13] =	ssyncset.done $0x0  }
0x7f: {  	[sflag:s13] =	ssyncadd.s32 $0xFFFFD800  }
0x80: {  	_ =	sfence.sel $0x180000  }
0x81: {  	[bflag:$0x0] =	sbarrier.arrive $0xFFFF  }
0x82: {  	p0 =	sne.s32 s3, $0x0;
	_ =	strace $0x9000004D  }
0x83: {  	s0 =	sadd.s32 @!p0 $0x100000, s0;
	[bflag:$0x2] =	sbarrier.arrive $0xFFFF  }
0x84: {  	[sflag:s0] =	ssyncadd.tile.s32 @!p0 $0x1;
	_ =	shalt  }
.Lfunc_end2:
_tile_overlayer_lowered:
.L_overlay_start_2:
0x85: {  	(tag) =	ssettag $0x2  }
0x86: {  	s0 =	rddreg [dreg:$0x0];
	s2 =	stileid.u32  }
0x87: {  	s1 =	rddreg [dreg:$0x1];
	p0 =	sne.s32 s2, $0x0  }
0x88: {  	s3 =	rddreg [dreg:$0x2];
	[bflag:$0x3] =	sbarrier.arrive $0xFFFF;
	s2 =	simm.s32 @!p0 $0x1C03  }
0x89: {  	[timem:s3], [sflag:s2] =	dma.local @!p0 [hbm:s0], s1  }
0x8a: {  	s0 =	simm.s32 @!p0 $0x3  }
0x8b: {  	_ =	swait.ge @!p0 [sflag:s0], s1  }
0x8c: {  	s1 =	ssub.s32 @!p0 $0x0, s1;
	[sflag:s0] =	ssyncset.done @!p0 $0x0  }
0x8d: {  	[sflag:s0] =	ssyncadd.s32 @!p0 s1  }
0x8e: {  	[bflag:$0x3] =	sbarrier.arrive $0xFFFF  }
0x8f: {  	_ =	shalt  }

// kernel: kernel.9.cloned.1.call-start
scs
__scs_entry_jumppad:
0x0: {  	(pc) =	sbr.rel $0x88, $3  }
0x1: {  	(tag) =	ssettag $0x0;
	lr =	simm.s32 $0x1  }
0x2: {  	[smem:$0x3F99] =	sst lr;
	_ =	strace $0xD0000000  }
0x3: {  	_ = 	snop  }
0x4: {  	_ = 	snop  }
0x5: {  	_ = 	snop  }
0x6: {  	_ = 	snop  }
0x7: {  	_ = 	snop  }
__scs_overlays_trampoline_lowered:
0x8: {  	[smem:$0x3FA8] =	sst s0  }
0x9: {  	[smem:$0x3FA9] =	sst s1  }
0xa: {  	[smem:$0x3FAA] =	sst s2  }
0xb: {  	[smem:$0x3FAB] =	sst s3  }
0xc: {  	[smem:$0x3FAC] =	sst s4  }
0xd: {  	[smem:$0x3FAD] =	sst s5  }
0xe: {  	[smem:$0x3FAE] =	sst s6  }
0xf: {  	[smem:$0x3FAF] =	sst s7  }
0x10: {  	[smem:$0x3FB0] =	sst s8  }
0x11: {  	[smem:$0x3FB1] =	sst s9;
	s0 =	simm.s32 @!p0 $0x0  }
0x12: {  	s1 =	sld [smem:$0x3F97];
	s0 =	simm.s32 @p0 $0x1  }
0x13: {  	[smem:$0x3FB2] =	sst s0;
	s0 =	simm.s32 @!p1 $0x0  }
0x14: {  	s2 =	sld [smem:$0x3F96];
	s0 =	simm.s32 @p1 $0x1  }
0x15: {  	[smem:$0x3FB3] =	sst s0;
	s0 =	simm.s32 @!p2 $0x0  }
0x16: {  	s3 =	sld [smem:$0x3FDB];
	s0 =	simm.s32 @p2 $0x1  }
0x17: {  	s4 =	simm.s32 $0x1BF5;
	[smem:$0x3FB5] =	sst s0  }
0x18: {  	s0 =	sld [smem:$0x3F98];
	_ =	swait.ge [sflag:s4], $0x0  }
0x19: {  	s7 =	sld [smem:$0x3F99]  }
0x1a: {  	s8 =	sadd.s32 $0xFFFFE003, lr  }
0x1b: {  	s9 =	sadd.s32 $0xFFFFFEF7, lr;
	s5 =	simm.s32 $0xFFFFFFFF;
	p2 =	slt.u32 s8, $0xFFFFF086  }
0x1c: {  	p1 =	slt.u32 s9, $0xF7A;
	s5 =	simm.s32 @!p2 $0x0  }
0x1d: {  	s5 =	simm.s32 @p1 $0x1;
	p0 =	seq.s32 s7, s2  }
0x1e: {  	s7 =	smul.u32 @!p0 $0xF7A, s2;
	p2 =	seq.s32 @!p0 s5, $0x0  }
0x1f: {  	s9 =	smul.u32 $0xF7A, s1;
	s8 =	simm.s32 @!p0 $0x1BF5;
	p2 =	por !p2, p0  }
0x20: {  	[sflag:s8] =	ssyncset.s32 @!p0 $0xFFFFF086;
	s6 =	sadd.s32 @!p0 s3, s7;
	s7 =	simm.s32 @!p0 $0x108  }
0x21: {  	s3 =	sadd.s32 s3, s9;
	s6 =	sadd.s32 @!p0 $0x88, s6;
	s7 =	simm.s32 @p2 $0x1082  }
0x22: {  	[simem:s7], [sflag:s8] =	dma.local @!p0 [hbm:s6], $0xF7A  }
0x23: {  	s9 =	sor.u32 $0xD0000000, s2;
	s6 =	simm.s32 $0x108;
	_ =	swait.ge @!p0 [sflag:s8], $0x0  }
0x24: {  	s3 =	sadd.s32 $0x88, s3;
	s6 =	simm.s32 @!p1 $0x1082;
	[sflag:s4] =	ssyncset.s32 $0xFFFFF086  }
0x25: {  	[simem:s6], [sflag:s4] =	dma.local [hbm:s3], $0xF7A  }
0x26: {  	[smem:$0x3F99] =	sst s1;
	(tag) =	ssettag s2;
	_ =	strace s9  }
0x27: {  	s1 =	sld [smem:$0x3FA9]  }
0x28: {  	s2 =	sld [smem:$0x3FAA]  }
0x29: {  	s4 =	sld [smem:$0x3FAC]  }
0x2a: {  	p0 =	seq.s32 s5, $0x0;
	s5 =	sld [smem:$0x3FAD]  }
0x2b: {  	s6 =	sld [smem:$0x3FAE]  }
0x2c: {  	s7 =	sld [smem:$0x3FAF]  }
0x2d: {  	s3 =	simm.s32 $0x108;
	s8 =	sld [smem:$0x3FB0]  }
0x2e: {  	s3 =	simm.s32 @!p0 $0x1082;
	s9 =	sld [smem:$0x3FB1]  }
0x2f: {  	lr =	sadd.s32 s0, s3;
	s0 =	sld [smem:$0x3FA8]  }
0x30: {  	s3 =	sld [smem:$0x3FAB]  }
0x31: {  	[smem:$0x3FB4] =	sst s10  }
0x32: {  	s10 =	sld [smem:$0x3FB2];
	_ =	sdelay $0x3  }
0x33: {  	p0 =	seq.s32 s10, $0x1;
	s10 =	sld [smem:$0x3FB4];
	_ =	sdelay $0x3  }
0x34: {  	[smem:$0x3FB4] =	sst s10  }
0x35: {  	s10 =	sld [smem:$0x3FB3];
	_ =	sdelay $0x3  }
0x36: {  	p1 =	seq.s32 s10, $0x1;
	s10 =	sld [smem:$0x3FB4];
	_ =	sdelay $0x3  }
0x37: {  	[smem:$0x3FB4] =	sst s10  }
0x38: {  	s10 =	sld [smem:$0x3FB5]  }
0x39: {  	_ = 	snop;
	(pc) =	sbr.ind lr, $3  }
0x3a: {  	_ = 	snop  }
0x3b: {  	_ = 	snop  }
0x3c: {  	p2 =	seq.s32 s10, $0x1;
	s10 =	sld [smem:$0x3FB4]  }
0x3d: {  	_ =	shalt  }
0x3e: {  	_ =	shalt  }
0x3f: {  	_ =	shalt  }
0x40: {  	_ =	shalt  }
0x41: {  	_ =	shalt  }
0x42: {  	_ =	shalt  }
0x43: {  	_ =	shalt  }
0x44: {  	_ =	shalt  }
0x45: {  	_ =	shalt  }
0x46: {  	_ =	shalt  }
0x47: {  	_ =	shalt  }
0x48: {  	_ =	shalt  }
0x49: {  	_ =	shalt  }
0x4a: {  	_ =	shalt  }
0x4b: {  	_ =	shalt  }
0x4c: {  	_ =	shalt  }
0x4d: {  	_ =	shalt  }
0x4e: {  	_ =	shalt  }
0x4f: {  	_ =	shalt  }
0x50: {  	_ =	shalt  }
0x51: {  	_ =	shalt  }
0x52: {  	_ =	shalt  }
0x53: {  	_ =	shalt  }
0x54: {  	_ =	shalt  }
0x55: {  	_ =	shalt  }
0x56: {  	_ =	shalt  }
0x57: {  	_ =	shalt  }
0x58: {  	_ =	shalt  }
0x59: {  	_ =	shalt  }
0x5a: {  	_ =	shalt  }
0x5b: {  	_ =	shalt  }
0x5c: {  	_ =	shalt  }
0x5d: {  	_ =	shalt  }
0x5e: {  	_ =	shalt  }
0x5f: {  	_ =	shalt  }
0x60: {  	_ =	shalt  }
0x61: {  	_ =	shalt  }
0x62: {  	_ =	shalt  }
0x63: {  	_ =	shalt  }
0x64: {  	_ =	shalt  }
0x65: {  	_ =	shalt  }
0x66: {  	_ =	shalt  }
0x67: {  	_ =	shalt  }
0x68: {  	_ =	shalt  }
0x69: {  	_ =	shalt  }
0x6a: {  	_ =	shalt  }
0x6b: {  	_ =	shalt  }
0x6c: {  	_ =	shalt  }
0x6d: {  	_ =	shalt  }
0x6e: {  	_ =	shalt  }
0x6f: {  	_ =	shalt  }
0x70: {  	_ =	shalt  }
0x71: {  	_ =	shalt  }
0x72: {  	_ =	shalt  }
0x73: {  	_ =	shalt  }
0x74: {  	_ =	shalt  }
0x75: {  	_ =	shalt  }
0x76: {  	_ =	shalt  }
0x77: {  	_ =	shalt  }
0x78: {  	_ =	shalt  }
0x79: {  	_ =	shalt  }
0x7a: {  	_ =	shalt  }
0x7b: {  	_ =	shalt  }
0x7c: {  	_ =	shalt  }
0x7d: {  	_ =	shalt  }
0x7e: {  	_ =	shalt  }
0x7f: {  	_ =	shalt  }
0x80: {  	_ =	shalt  }
0x81: {  	_ =	shalt  }
0x82: {  	_ =	shalt  }
0x83: {  	_ =	shalt  }
0x84: {  	_ =	shalt  }
0x85: {  	_ =	shalt  }
0x86: {  	_ =	shalt  }
0x87: {  	_ =	shalt  }
.Lfunc_end0:
.L_simem_size_0:
called_computation_lowered:
.L_overlay_start_0:
0x88: {  	s2 =	sld [smem:$0x3FD9]  }
0x89: {  	s3 =	sld [smem:$0x3FFE];
	_ =	sdelay $0x1  }
0x8a: {  	s1 =	srdreg.scid  }
0x8b: {  	s0 =	sand.u32 $0x1, s1  }
0x8c: {  	s14 =	sshll.u32 s0, $0xA;
	s2 =	sadd.s32 s3, s2  }
0x8d: {  	s2 =	sadd.s32 s2, s14  }
0x8e: {  	[smem:$0x3FC0] =	sst s2  }
0x8f: {  	_ = 	snop  }
0x90: {  	s2 =	sld [smem:$0x3FD0];
	_ =	sdelay $0x2  }
0x91: {  	s15 =	simm.s32 $0xA;
	s4 =	simm.s32 $0x10  }
0x92: {  	[smem:s4], [sflag:s15] =	dma.local [hbm:s2], $0x1  }
0x93: {  	_ =	swait.eq [sflag:s15], $0x1  }
0x94: {  	[sflag:s15] =	ssyncset.done $0x0  }
0x95: {  	s16 =	sld [smem:$0x10];
	[sflag:s15] =	ssyncadd.s32 $0xFFFFFFFF  }
0x96: {  	s17 =	sld [smem:$0x11];
	(tm) =	ssettm $0x1  }
0x97: {  	s18 =	sld [smem:$0x3FFB];
	_ =	sdelay $0x3  }
0x98: {  	_ =	strace s18  }
0x99: {  	s4 =	sld [smem:$0x3FFC];
	_ =	sdelay $0x3  }
0x9a: {  	_ =	strace s4  }
0x9b: {  	s4 =	sld [smem:$0x3FFD];
	_ =	sdelay $0x3  }
0x9c: {  	_ =	strace s4  }
0x9d: {  	_ =	strace $0x8FFFFFFF  }
0x9e: {  	s19 =	sld [smem:$0x3FDB];
	_ =	sdelay $0x1  }
0x9f: {  	s5 =	simm.s32 $_scs_section_size  }
0xa0: {  	s6 =	simm.s32 $_size__tile_overlayer_lowered;
	s7 =	simm.s32 $_tile_overlayer_lowered  }
0xa1: {  	s22 =	simm.s32 $0x1BFF;
	s21 =	sshll.u32 s7, $0x1;
	s4 =	sadd.s32 s5, s19  }
0xa2: {  	s8 =	simm.s32 $0x0;
	s20 =	sshll.u32 s6, $0x1;
	s6 =	sadd.s32 s21, s4  }
0xa3: {  	[timem:s8], [sflag:s22] =	dma.local [hbm:s6], s20  }
0xa4: {  	_ =	swait.ge [sflag:s22], s20  }
0xa5: {  	s5 =	ssub.s32 $0x0, s20;
	[sflag:s22] =	ssyncset.done $0x0  }
0xa6: {  	[sflag:s22] =	ssyncadd.s32 s5;
	_ =	sdelay $0x1  }
0xa7: {  	s23 =	simm.s32 $0x1B8B  }
0xa8: {  	_ =	swait.ge [sflag:s23], $0x1  }
0xa9: {  	[sflag:s23] =	ssyncset.done $0x0  }
0xaa: {  	s25 =	simm.s32 $0x1B8E;
	s24 =	sld [smem:$0x3FFE];
	[sflag:s23] =	ssyncadd.s32 $0xFFFFFFFF  }
0xab: {  	s26 =	simm.s32 $execute0_lowered;
	[smem:$0x3FD2] =	sst s25  }
0xac: {  	s6 =	sshll.u32 s26, $0x1;
	_ =	strace $0x80000046;
	[dreg:$0x1] =	wrdreg $0xFFFFFFFF  }
0xad: {  	s28 =	simm.s32 $_size_execute0_lowered;
	s4 =	sadd.s32 s4, s6;
	[dreg:$0x0] =	wrdreg $0x0  }
0xae: {  	s6 =	sshll.u32 s28, $0x1;
	[dreg:$0x2] =	wrdreg s4  }
0xaf: {  	[dreg:$0x3] =	wrdreg s6  }
0xb0: {  	[dreg:$0x4] =	wrdreg $0xC0  }
0xb1: {  	_ =	task [dreg:s8], $0x5FFFF  }
0xb2: {  	[dreg:$0x1] =	wrdreg $0xFFFFFFFF  }
0xb3: {  	[dreg:$0x0] =	wrdreg $0x60  }
0xb4: {  	[dreg:$0x2] =	wrdreg s17  }
0xb5: {  	[dreg:$0x3] =	wrdreg s24  }
0xb6: {  	[dreg:$0x4] =	wrdreg s16  }
0xb7: {  	[dreg:$0x5] =	wrdreg $0x40800  }
0xb8: {  	[dreg:$0x6] =	wrdreg $0x9  }
0xb9: {  	_ =	task.clear_ibuf [dreg:s8], $0x7FFFF;
	_ =	strace $0x90000046  }
0xba: {  	s29 =	simm.s32 $0x9;
	_ =	strace $0x80000048  }
0xbb: {  	_ =	swait.ge [sflag:s29], $0x1  }
0xbc: {  	[sflag:s29] =	ssyncadd.s32 $0xFFFFFFFF  }
0xbd: {  	_ =	strace $0x90000048  }
0xbe: {  	_ =	sfence  }
0xbf: {  	s30 =	sld [smem:$0x0];
	_ =	sdelay $0x2  }
0xc0: {  	s31 =	sshll.u32 s1, $0xD;
	s1 =	sshrl.u32 s1, $0x2  }
0xc1: {  	s3 =	sand.u32 $0x4000, s31;
	s1 =	sadd.s32 s1, s30  }
0xc2: {  	s0 =	sor.u32 s3, s0;
	s1 =	sshll.u32 s1, $0x11  }
0xc3: {  	s0 =	sor.u32 s1, s0  }
0xc4: {  	s0 =	sadd.s32 $0x8F2B, s0  }
0xc5: {  	[sflag:s0] =	ssyncadd.remote.s32 $0x1  }
0xc6: {  	_ =	sfence.sel $0xFFFF  }
0xc7: {  	[dreg:$0x0] =	wrdreg $0xFFFFFFFF;
	(pc) =	sbr.abs _section_cstart, $3  }
0xc8: {  	[dreg:$0x1] =	wrdreg $0xFFFFFFFF  }
0xc9: {  	_ =	task.clear_ibuf [dreg:s8], $0x2FFFF;
	_ =	strace $0x9FFFFFFF  }
0xca: {  	(tm) =	ssettm $0x7FFFFFFF  }
0xcb: {  	_ =	shalt  }
tec
execute0_lowered:
.L_overlay_start_1:
0x0: {  	(tag) =	ssettag $0x1  }
0x1: {  	s1 =	rddreg [dreg:$0x0]  }
0x2: {  	s6 =	rddreg [dreg:$0x1]  }
0x3: {  	s7 =	rddreg [dreg:$0x2]  }
0x4: {  	s3 =	rddreg [dreg:$0x3];
	s2 =	stileid.u32  }
0x5: {  	s0 =	rddreg [dreg:$0x4];
	s9 =	smul.u32 $0x14000, s2  }
0x6: {  	s5 =	srdreg.scid;
	s4 =	simm.s32 $0x0;
	s12 =	smul.u32 $0x50000, s2  }
0x7: {  	s15 =	simm.s32 $0x0;
	s8 =	sand.u32 $0x1, s5;
	s30 =	smul.u32 $0x500, s2  }
0x8: {  	[smem:$0x7FF] =	sst s4;
	s31 =	sshll.u32 s2, $0x6;
	s5 =	smul.u32 $0x140000, s8  }
0x9: {  	_ =	strace $0x80000047;
	s11 =	ssub.s32 $0x2, s8;
	s14 =	smul.u32 $0x280, s8  }
0xa: {  	s13 =	sshrl.u32 s11, $0x1;
	s28 =	sshrl.u32 s12, $0x2;
	s29 =	sshrl.u32 s9, $0x3  }
0xb: {  	s10 =	sadd.s32 s9, s5;
	s5 =	sadd.s32 $0x2C00, s6;
	s11 =	ssub.s32 s11, s13  }
0xc: {  	s12 =	sadd.s32 s28, s3;
	s13 =	simm.s32 $0x4000;
	s10 =	sshrl.u32 s10, $0x3  }
0xd: {  	s9 =	smax.u32 s11, $0x1;
	s11 =	sshrl.u32 s12, $0x3;
	s12 =	simm.s32 $0x1  }
0xe: {  	s10 =	sadd.s32 s10, s6;
	s6 =	sadd.s32 s7, s29;
	s7 =	sor.u32 $0x1C01, s31  }
0xf: {  	s8 =	sadd.s32 $0x3400, s10;
	s10 =	sadd.s32 s14, s30;
	s14 =	simm.s32 $0x7D  }
.LBB2_1:
0x10: {  	[spmem:s11], [sflag:s7] =	dma.local [hbm:s6], $0x2800  }
0x11: {  	_ =	swait.ge [sflag:s12], $0x2800  }
0x12: {  	[sflag:s12] =	ssyncset.done $0x0  }
0x13: {  	[sflag:s12] =	ssyncadd.s32 $0xFFFFD800  }
0x14: {  	[tilespmem:s4], [sflag:$0x1] =	stream.linear.gather [hbm4b:s5+s4], $0x3E80, $0x38;
	[tilespmem:$0x5480] =	vst v63  }
0x15: {  	_ =	swait.ge [sflag:s12], $0x3E80  }
0x16: {  	s16 =	sadd.s32 $0x0, s10;
	s17 =	sand.u32 $0x70, s4;
	[sflag:s12] =	ssyncset.done $0x0  }
0x17: {  	s16 =	sand.u32 $0xFFFFF80, s16;
	s17 =	sadd.s32 s1, s17;
	[sflag:s12] =	ssyncadd.s32 $0xFFFFC180  }
0x18: {  	s16 =	sadd.s32 s16, s17;
	[bflag:$0x0] =	sbarrier.arrive $0xFFFF  }
0x19: {  	[tilespmem:s13], [sflag:$0x1] =	stream.linear.gather [hbm4b:s16+s4], $0x80, $0x38;
	[tilespmem:$0x5480] =	vst v63  }
0x1a: {  	_ =	swait.ge [sflag:s12], $0x80  }
0x1b: {  	[sflag:s12] =	ssyncset.done $0x0  }
0x1c: {  	s31 =	simm.s32 $0x10;
	s18 =	sadd.s32 $0x10, s10;
	[sflag:s12] =	ssyncadd.s32 $0xFFFFFF80  }
0x1d: {  	[spmem:s3] =	stream.indirect.scatter.add.f32 [tilespmem:s4], [sflag:$0x1], $0x8, s13, s14, $0xb8;
	[tilespmem:$0x5480] =	vst v63  }
0x1e: {  	s19 =	sand.u32 $0x70, s31;
	s17 =	sand.u32 $0xFFFFF80, s18;
	_ =	swait.ge [sflag:s12], $0x3E8  }
0x1f: {  	s18 =	sadd.s32 s1, s19;
	s16 =	simm.s32 $0x20;
	[sflag:s12] =	ssyncset.done $0x0  }
.LBB2_2:
0x20: {  	s17 =	sadd.s32 s17, s18  }
0x21: {  	[sflag:s12] =	ssyncadd.s32 $0xFFFFFC18;
	s18 =	smov.u32 s16;
	s19 =	sadd.s32 $0x10, s16  }
0x22: {  	[tilespmem:s13], [sflag:$0x1] =	stream.linear.gather [hbm4b:s17+s4], $0x80, $0x38;
	[tilespmem:$0x5480] =	vst v63  }
0x23: {  	p0 =	sne.s32 s16, $0x270;
	_ =	swait.ge [sflag:s12], $0x80  }
.Ltmp0:
0x24: {  	[sflag:s12] =	ssyncset.done $0x0;
	(pc) =	sbr.rel @p0 .LBB2_2-.Ltmp0, $4  }
0x25: {  	s16 =	sadd.s32 s18, s10;
	[sflag:s12] =	ssyncadd.s32 $0xFFFFFF80  }
0x26: {  	[spmem:s3] =	stream.indirect.scatter.add.f32 [tilespmem:s4], [sflag:$0x1], $0x8, s13, s14, $0xb8;
	[tilespmem:$0x5480] =	vst v63  }
0x27: {  	s18 =	sand.u32 $0x70, s18;
	s17 =	sand.u32 $0xFFFFF80, s16;
	_ =	swait.ge [sflag:s12], $0x3E8  }
0x28: {  	s18 =	sadd.s32 s1, s18;
	s16 =	smov.u32 s19;
	[sflag:s12] =	ssyncset.done $0x0  }
0x29: {  	s16 =	sadd.s32 s17, s18;
	[sflag:s12] =	ssyncadd.s32 $0xFFFFFC18  }
0x2a: {  	[tilespmem:s13], [sflag:$0x1] =	stream.linear.gather [hbm4b:s16+s4], $0x80, $0x38;
	[tilespmem:$0x5480] =	vst v63  }
0x2b: {  	_ =	swait.ge [sflag:s12], $0x80  }
0x2c: {  	[sflag:s12] =	ssyncset.done $0x0  }
0x2d: {  	[sflag:s12] =	ssyncadd.s32 $0xFFFFFF80  }
0x2e: {  	[spmem:s3] =	stream.indirect.scatter.add.f32 [tilespmem:s4], [sflag:$0x1], $0x8, s13, s14, $0xb8;
	[tilespmem:$0x5480] =	vst v63  }
0x2f: {  	_ =	swait.ge [sflag:s12], $0x3E8  }
0x30: {  	s15 =	sadd.s32 $0x1, s15;
	[sflag:s12] =	ssyncset.done $0x0  }
0x31: {  	p0 =	sne.s32 s15, s9;
	[sflag:s12] =	ssyncadd.s32 $0xFFFFFC18  }
.Ltmp1:
0x32: {  	[bflag:$0x0] =	sbarrier.arrive $0xFFFF;
	(pc) =	sbr.rel @p0 .LBB2_1-.Ltmp1, $4  }
0x33: {  	[hbm:s8], [sflag:s7] =	dma.local [spmem:s11], $0x2800  }
0x34: {  	_ =	swait.ge [sflag:s12], $0x2800  }
0x35: {  	[sflag:s12] =	ssyncset.done $0x0  }
0x36: {  	[sflag:s12] =	ssyncadd.s32 $0xFFFFD800  }
0x37: {  	_ =	sfence.sel $0x180000  }
0x38: {  	[bflag:$0x0] =	sbarrier.arrive $0xFFFF  }
0x39: {  	p0 =	sne.s32 s2, $0x0;
	_ =	strace $0x90000047  }
0x3a: {  	s0 =	sadd.s32 @!p0 $0x100000, s0;
	[bflag:$0x2] =	sbarrier.arrive $0xFFFF  }
0x3b: {  	[sflag:s0] =	ssyncadd.tile.s32 @!p0 $0x1;
	_ =	shalt  }
.Lfunc_end2:
_tile_overlayer_lowered:
.L_overlay_start_2:
0x3c: {  	(tag) =	ssettag $0x2  }
0x3d: {  	s0 =	rddreg [dreg:$0x0];
	s2 =	stileid.u32  }
0x3e: {  	s1 =	rddreg [dreg:$0x1];
	p0 =	sne.s32 s2, $0x0  }
0x3f: {  	s3 =	rddreg [dreg:$0x2];
	[bflag:$0x3] =	sbarrier.arrive $0xFFFF;
	s2 =	simm.s32 @!p0 $0x1C01  }
0x40: {  	[timem:s3], [sflag:s2] =	dma.local @!p0 [hbm:s0], s1  }
0x41: {  	s0 =	simm.s32 @!p0 $0x1  }
0x42: {  	_ =	swait.ge @!p0 [sflag:s0], s1  }
0x43: {  	s1 =	ssub.s32 @!p0 $0x0, s1;
	[sflag:s0] =	ssyncset.done @!p0 $0x0  }
0x44: {  	[sflag:s0] =	ssyncadd.s32 @!p0 s1  }
0x45: {  	[bflag:$0x3] =	sbarrier.arrive $0xFFFF  }
0x46: {  	_ =	shalt  }

</sc_bundles>
